<compile_context>
chip_gen: v7x
topology: tpu7x:2x2x1
jax: 0.10.2.dev20260603
libtpu: 0.0.44.dev20260713+nightly
codegen_flags: <defaults>
</compile_context>

<pallas_src>
import functools

import jax
import jax.numpy as jnp
from jax import lax
from jax.experimental import pallas as pl
from jax.experimental.pallas import tpu as pltpu
from jax.experimental.pallas import tpu_sc as plsc

VOCAB = 1000
EMBED_DIM = 64
HIDDEN_DIM = 32
DPAD = 1024
LPAD = 56
NPIECE = DPAD // 128
TAIL = VOCAB - 7 * 128


def _table_body(emb_ref, w1_ref, b1_ref, w2_ref, b2_ref, out_ref):
    h = lax.dot_general(
        emb_ref[...], w1_ref[...], (((1,), (0,)), ((), ())),
        preferred_element_type=jnp.float32)
    h = jnp.maximum(h + b1_ref[...], 0.0)
    out_ref[...] = lax.dot_general(
        h, w2_ref[...], (((1,), (0,)), ((), ())),
        preferred_element_type=jnp.float32) + b2_ref[...]


def _compute_table(emb, W1, b1, W2, b2):
    w2p = jnp.pad(W2, ((0, 0), (0, DPAD - VOCAB)))
    b2p = jnp.pad(b2, (0, DPAD - VOCAB)).reshape(1, DPAD)
    return pl.pallas_call(
        _table_body,
        out_shape=jax.ShapeDtypeStruct((VOCAB, DPAD), jnp.float32),
    )(emb, W1, b1.reshape(1, HIDDEN_DIM), w2p, b2p)


@functools.cache
def _make_gather(B, L, V):
    info = plsc.get_sparse_core_info()
    NC, NS = info.num_cores, info.num_subcores
    NW = NC * NS
    rows_per_w = B // NW
    assert B % NW == 0
    mesh = plsc.VectorSubcoreMesh(core_axis_name="c", subcore_axis_name="s")

    @functools.partial(
        pl.kernel, mesh=mesh,
        compiler_params=pltpu.CompilerParams(
            use_tc_tiling_on_sc=True, needs_layout_passes=False),
        out_type=jax.ShapeDtypeStruct((B, L, V), jnp.float32),
        scratch_types=[
            pltpu.VMEM((rows_per_w * NPIECE * LPAD,), jnp.int32),
            pltpu.VMEM((L, V), jnp.float32),
            pltpu.VMEM((L, 128), jnp.float32),
            pltpu.SemaphoreType.DMA,
            pltpu.SemaphoreType.DMA,
        ],
    )
    def gather(table_hbm, idx_hbm, out_hbm, idx_v, rows_v, tail_v,
               gsem, ssem):
        sid = lax.axis_index("s")
        wid = sid * NC + lax.axis_index("c")
        base = wid * rows_per_w
        n_idx = rows_per_w * NPIECE * LPAD
        pltpu.sync_copy(idx_hbm.at[pl.ds(wid * n_idx, n_idx)], idx_v)

        lane = lax.iota(jnp.int32, 16)
        lane8 = lane & 7
        low8 = lane < 8

        def merge_row(r, carry):
            for c in range(6):
                rows_v[r, pl.ds(7 * 128 + c * 16, 16)] = \
                    tail_v[r, pl.ds(c * 16, 16)]
            rvec = jnp.full((16,), r, dtype=jnp.int32)
            vals = plsc.load_gather(tail_v, [rvec, 96 + lane8], mask=low8)
            plsc.store_scatter(rows_v, [rvec, 992 + lane8], vals, mask=low8)
            return carry

        def row_body(r, carry):
            roff = pl.multiple_of(r * (NPIECE * LPAD), NPIECE * LPAD)
            hs = []
            for k in range(NPIECE - 1):
                hs.append(pltpu.async_copy(
                    table_hbm.at[idx_v.at[pl.ds(roff + k * LPAD, L)]],
                    rows_v.at[:, pl.ds(k * 128, 128)], gsem))
            hs.append(pltpu.async_copy(
                table_hbm.at[idx_v.at[pl.ds(roff + (NPIECE - 1) * LPAD, L)]],
                tail_v, gsem))
            for h in hs:
                h.wait()
            lax.fori_loop(0, L, merge_row, 0)
            pltpu.sync_copy(rows_v, out_hbm.at[base + r])
            return carry

        lax.fori_loop(0, rows_per_w, row_body, 0)

    return gather


def kernel(x, emb, W1, b1, W2, b2):
    Bt, L = x.shape
    tp = _compute_table(emb, W1, b1, W2, b2)
    table = tp.reshape(VOCAB * NPIECE, 128)
    xi = x.astype(jnp.int32)
    idx8 = (NPIECE * xi[:, None, :]
            + jnp.arange(NPIECE, dtype=jnp.int32)[None, :, None])
    idx8 = jnp.pad(idx8, ((0, 0), (0, 0), (0, LPAD - L))).reshape(-1)
    return _make_gather(Bt, L, VOCAB)(table, idx8)

# --- scband reference (transcript-rebuilt; emitter-appended) ---
"""Pipeline reference for scband-embedding-module-25752623907510 (READ-ONLY COPY).

The authoritative reference and input builder live on the scoring server;
editing this copy changes nothing except your own understanding.
"""

import jax, jax.numpy as jnp
import numpy as np

VOCAB = 1000
EMBED_DIM = 64
HIDDEN_DIM = 32

def setup_inputs(seed: int = 0) -> dict:
    key = jax.random.key(seed)
    k_idx, k_emb, k_w1, k_b1, k_w2, k_b2 = jax.random.split(key, 6)
    x = jax.random.randint(k_idx, (1024, 50), 0, VOCAB, dtype=jnp.int64) if jax.config.jax_enable_x64 else jax.random.randint(k_idx, (1024, 50), 0, VOCAB, dtype=jnp.int32)
    emb = jax.random.normal(k_emb, (VOCAB, EMBED_DIM), dtype=jnp.float32)
    W1 = jax.random.normal(k_w1, (EMBED_DIM, HIDDEN_DIM), dtype=jnp.float32) * (1.0 / np.sqrt(EMBED_DIM))
    b1 = jax.random.normal(k_b1, (HIDDEN_DIM,), dtype=jnp.float32) * 0.01
    W2 = jax.random.normal(k_w2, (HIDDEN_DIM, VOCAB), dtype=jnp.float32) * (1.0 / np.sqrt(HIDDEN_DIM))
    b2 = jax.random.normal(k_b2, (VOCAB,), dtype=jnp.float32) * 0.01
    return {"x": x, "emb": emb, "W1": W1, "b1": b1, "W2": W2, "b2": b2}

def reference(x, emb, W1, b1, W2, b2):
    h = jnp.take(emb, x, axis=0)            # embedding gather [B, L, E]
    h = jax.nn.relu(jnp.dot(h, W1) + b1)    # fc + relu [B, L, H]
    out = jnp.dot(h, W2) + b2               # out projection [B, L, V]
    return out

if __name__ == "__main__":
    import jax
    _d = setup_inputs()
    print(jax.jit(kernel)(*tuple(_d.values())))

</pallas_src>

<mosaic_0001>
#map = affine_map<(d0, d1) -> (0, 0)>
#map1 = affine_map<(d0, d1) -> (0)>
#map2 = affine_map<(d0, d1) -> (0, 0, 0)>
module attributes {stable_mosaic.version = 14 : i64} {
  func.func @gather(%arg0: i32, %arg1: i32, %arg2: memref<8000x128xf32, #tpu.memory_space<hbm>>, %arg3: memref<458752xi32, #tpu.memory_space<hbm>>, %arg4: memref<1024x50x1000xf32, #tpu.memory_space<hbm>>, %arg5: memref<14336xi32, #tpu.memory_space<vmem>>, %arg6: memref<50x1000xf32, #tpu.memory_space<vmem>>, %arg7: memref<50x128xf32, #tpu.memory_space<vmem>>, %arg8: memref<!tpu.dma_semaphore, #tpu.memory_space<semaphore_mem>>, %arg9: memref<!tpu.dma_semaphore, #tpu.memory_space<semaphore_mem>>) attributes {dimension_semantics = [#tpu.dimension_semantics<core_parallel>, #tpu.dimension_semantics<subcore_parallel>], iteration_bounds = array<i64: 2, 16>, scalar_prefetch = 0 : i64, scratch_operands = 5 : i64, tpu.core_type = #tpu.core_type<sc_vector_subcore>, window_params = [{transform_indices = #map}, {transform_indices = #map1}, {transform_indices = #map2}]} {
    %mul3A = arith.constant 2 : i32
    %mul3A_0 = arith.muli %arg1, %mul3A : i32
    %add3A = arith.addi %mul3A_0, %arg0 : i32
    %mul3A_1 = arith.constant 32 : i32
    %mul3A_2 = arith.muli %add3A, %mul3A_1 : i32
    %mul3A_3 = arith.constant 14336 : i32
    %mul3A_4 = arith.muli %add3A, %mul3A_3 : i32
    "tpu.region"() ({
      %run_scoped3A = tpu.sem_alloc : memref<!tpu.dma_semaphore, #tpu.memory_space<semaphore_mem>>
      %dma_start3A = tpu.memref_slice %arg3[%mul3A_4] : memref<458752xi32, #tpu.memory_space<hbm>> -> memref<14336xi32, #tpu.memory_space<hbm>>
      %dma_start3A_14 = tpu.memref_slice %arg3[%mul3A_4] : memref<458752xi32, #tpu.memory_space<hbm>> -> memref<14336xi32, #tpu.memory_space<hbm>>
      tpu.enqueue_dma source(%dma_start3A_14 : memref<14336xi32, #tpu.memory_space<hbm>>) target(%arg5 : memref<14336xi32, #tpu.memory_space<vmem>>) target_semaphore(%run_scoped3A : memref<!tpu.dma_semaphore, #tpu.memory_space<semaphore_mem>>)
      %dma_wait3A = tpu.memref_slice %arg3[%mul3A_4] : memref<458752xi32, #tpu.memory_space<hbm>> -> memref<14336xi32, #tpu.memory_space<hbm>>
      %dma_wait3A_15 = tpu.memref_slice %arg3[%mul3A_4] : memref<458752xi32, #tpu.memory_space<hbm>> -> memref<14336xi32, #tpu.memory_space<hbm>>
      tpu.wait_dma2 semaphore(%run_scoped3A : memref<!tpu.dma_semaphore, #tpu.memory_space<semaphore_mem>>) src(%dma_wait3A_15 : memref<14336xi32, #tpu.memory_space<hbm>>) dst(%arg5 : memref<14336xi32, #tpu.memory_space<vmem>>)
      tpu.yield
    }) : () -> ()
    %iota3A = tpu.iota {dimensions = array<i32: 0>} : vector<16xi32>
    %and3A = arith.constant 7 : i32
    %and3A_5 = vector.broadcast %and3A : i32 to vector<16xi32>
    %and3A_6 = arith.andi %iota3A, %and3A_5 : vector<16xi32>
    %lt3A = arith.constant 8 : i32
    %lt3A_7 = vector.broadcast %lt3A : i32 to vector<16xi32>
    %lt3A_8 = arith.cmpi slt, %iota3A, %lt3A_7 : vector<16xi32>
    %scan3A = arith.constant 0 : i32
    %scan3A_9 = arith.constant 0 : i32
    %scan3A_10 = arith.constant 32 : i32
    %scan3A_11 = arith.addi %scan3A_9, %scan3A_10 : i32
    %scan3A_12 = arith.constant 1 : i32
    scf.for %scan3A_14 = %scan3A_9 to %scan3A_11 step %scan3A_12  : i32 {
      %mul3A_15 = arith.constant 448 : i32
      %mul3A_16 = arith.muli %scan3A_14, %mul3A_15 : i32
      %multiple_of3A = tpu.assume_multiple %mul3A_16, 448 : i32
      %add3A_17 = arith.constant 0 : i32
      %add3A_18 = arith.addi %multiple_of3A, %add3A_17 : i32
      %dma_start3A = arith.constant 0 : i32
      %dma_start3A_19 = arith.constant 0 : i32
      %dma_start3A_20 = tpu.memref_slice %arg6[%dma_start3A, %dma_start3A_19] : memref<50x1000xf32, #tpu.memory_space<vmem>> -> memref<50x128xf32, #tpu.memory_space<vmem>>
      %dma_start3A_21 = tpu.memref_slice %arg5[%add3A_18] : memref<14336xi32, #tpu.memory_space<vmem>> -> memref<50xi32, #tpu.memory_space<vmem>>
      %dma_start3A_22 = arith.constant 0 : i32
      %dma_start3A_23 = arith.constant 0 : i32
      %dma_start3A_24 = tpu.memref_slice %arg2[%dma_start3A_22, %dma_start3A_23] : memref<8000x128xf32, #tpu.memory_space<hbm>> -> memref<8000x128xf32, #tpu.memory_space<hbm>>
      tpu.enqueue_indirect_dma source(%dma_start3A_24 : memref<8000x128xf32, #tpu.memory_space<hbm>>) target(%dma_start3A_20 : memref<50x128xf32, #tpu.memory_space<vmem>>) offsets(%dma_start3A_21 : memref<50xi32, #tpu.memory_space<vmem>>) semaphore(%arg8 : memref<!tpu.dma_semaphore, #tpu.memory_space<semaphore_mem>>)
      %add3A_25 = arith.constant 56 : i32
      %add3A_26 = arith.addi %multiple_of3A, %add3A_25 : i32
      %dma_start3A_27 = arith.constant 0 : i32
      %dma_start3A_28 = arith.constant 128 : i32
      %dma_start3A_29 = tpu.memref_slice %arg6[%dma_start3A_27, %dma_start3A_28] : memref<50x1000xf32, #tpu.memory_space<vmem>> -> memref<50x128xf32, #tpu.memory_space<vmem>>
      %dma_start3A_30 = tpu.memref_slice %arg5[%add3A_26] : memref<14336xi32, #tpu.memory_space<vmem>> -> memref<50xi32, #tpu.memory_space<vmem>>
      %dma_start3A_31 = arith.constant 0 : i32
      %dma_start3A_32 = arith.constant 0 : i32
      %dma_start3A_33 = tpu.memref_slice %arg2[%dma_start3A_31, %dma_start3A_32] : memref<8000x128xf32, #tpu.memory_space<hbm>> -> memref<8000x128xf32, #tpu.memory_space<hbm>>
      tpu.enqueue_indirect_dma source(%dma_start3A_33 : memref<8000x128xf32, #tpu.memory_space<hbm>>) target(%dma_start3A_29 : memref<50x128xf32, #tpu.memory_space<vmem>>) offsets(%dma_start3A_30 : memref<50xi32, #tpu.memory_space<vmem>>) semaphore(%arg8 : memref<!tpu.dma_semaphore, #tpu.memory_space<semaphore_mem>>)
      %add3A_34 = arith.constant 112 : i32
      %add3A_35 = arith.addi %multiple_of3A, %add3A_34 : i32
      %dma_start3A_36 = arith.constant 0 : i32
      %dma_start3A_37 = arith.constant 256 : i32
      %dma_start3A_38 = tpu.memref_slice %arg6[%dma_start3A_36, %dma_start3A_37] : memref<50x1000xf32, #tpu.memory_space<vmem>> -> memref<50x128xf32, #tpu.memory_space<vmem>>
      %dma_start3A_39 = tpu.memref_slice %arg5[%add3A_35] : memref<14336xi32, #tpu.memory_space<vmem>> -> memref<50xi32, #tpu.memory_space<vmem>>
      %dma_start3A_40 = arith.constant 0 : i32
      %dma_start3A_41 = arith.constant 0 : i32
      %dma_start3A_42 = tpu.memref_slice %arg2[%dma_start3A_40, %dma_start3A_41] : memref<8000x128xf32, #tpu.memory_space<hbm>> -> memref<8000x128xf32, #tpu.memory_space<hbm>>
      tpu.enqueue_indirect_dma source(%dma_start3A_42 : memref<8000x128xf32, #tpu.memory_space<hbm>>) target(%dma_start3A_38 : memref<50x128xf32, #tpu.memory_space<vmem>>) offsets(%dma_start3A_39 : memref<50xi32, #tpu.memory_space<vmem>>) semaphore(%arg8 : memref<!tpu.dma_semaphore, #tpu.memory_space<semaphore_mem>>)
      %add3A_43 = arith.constant 168 : i32
      %add3A_44 = arith.addi %multiple_of3A, %add3A_43 : i32
      %dma_start3A_45 = arith.constant 0 : i32
      %dma_start3A_46 = arith.constant 384 : i32
      %dma_start3A_47 = tpu.memref_slice %arg6[%dma_start3A_45, %dma_start3A_46] : memref<50x1000xf32, #tpu.memory_space<vmem>> -> memref<50x128xf32, #tpu.memory_space<vmem>>
      %dma_start3A_48 = tpu.memref_slice %arg5[%add3A_44] : memref<14336xi32, #tpu.memory_space<vmem>> -> memref<50xi32, #tpu.memory_space<vmem>>
      %dma_start3A_49 = arith.constant 0 : i32
      %dma_start3A_50 = arith.constant 0 : i32
      %dma_start3A_51 = tpu.memref_slice %arg2[%dma_start3A_49, %dma_start3A_50] : memref<8000x128xf32, #tpu.memory_space<hbm>> -> memref<8000x128xf32, #tpu.memory_space<hbm>>
      tpu.enqueue_indirect_dma source(%dma_start3A_51 : memref<8000x128xf32, #tpu.memory_space<hbm>>) target(%dma_start3A_47 : memref<50x128xf32, #tpu.memory_space<vmem>>) offsets(%dma_start3A_48 : memref<50xi32, #tpu.memory_space<vmem>>) semaphore(%arg8 : memref<!tpu.dma_semaphore, #tpu.memory_space<semaphore_mem>>)
      %add3A_52 = arith.constant 224 : i32
      %add3A_53 = arith.addi %multiple_of3A, %add3A_52 : i32
      %dma_start3A_54 = arith.constant 0 : i32
      %dma_start3A_55 = arith.constant 512 : i32
      %dma_start3A_56 = tpu.memref_slice %arg6[%dma_start3A_54, %dma_start3A_55] : memref<50x1000xf32, #tpu.memory_space<vmem>> -> memref<50x128xf32, #tpu.memory_space<vmem>>
      %dma_start3A_57 = tpu.memref_slice %arg5[%add3A_53] : memref<14336xi32, #tpu.memory_space<vmem>> -> memref<50xi32, #tpu.memory_space<vmem>>
      %dma_start3A_58 = arith.constant 0 : i32
      %dma_start3A_59 = arith.constant 0 : i32
      %dma_start3A_60 = tpu.memref_slice %arg2[%dma_start3A_58, %dma_start3A_59] : memref<8000x128xf32, #tpu.memory_space<hbm>> -> memref<8000x128xf32, #tpu.memory_space<hbm>>
      tpu.enqueue_indirect_dma source(%dma_start3A_60 : memref<8000x128xf32, #tpu.memory_space<hbm>>) target(%dma_start3A_56 : memref<50x128xf32, #tpu.memory_space<vmem>>) offsets(%dma_start3A_57 : memref<50xi32, #tpu.memory_space<vmem>>) semaphore(%arg8 : memref<!tpu.dma_semaphore, #tpu.memory_space<semaphore_mem>>)
      %add3A_61 = arith.constant 280 : i32
      %add3A_62 = arith.addi %multiple_of3A, %add3A_61 : i32
      %dma_start3A_63 = arith.constant 0 : i32
      %dma_start3A_64 = arith.constant 640 : i32
      %dma_start3A_65 = tpu.memref_slice %arg6[%dma_start3A_63, %dma_start3A_64] : memref<50x1000xf32, #tpu.memory_space<vmem>> -> memref<50x128xf32, #tpu.memory_space<vmem>>
      %dma_start3A_66 = tpu.memref_slice %arg5[%add3A_62] : memref<14336xi32, #tpu.memory_space<vmem>> -> memref<50xi32, #tpu.memory_space<vmem>>
      %dma_start3A_67 = arith.constant 0 : i32
      %dma_start3A_68 = arith.constant 0 : i32
      %dma_start3A_69 = tpu.memref_slice %arg2[%dma_start3A_67, %dma_start3A_68] : memref<8000x128xf32, #tpu.memory_space<hbm>> -> memref<8000x128xf32, #tpu.memory_space<hbm>>
      tpu.enqueue_indirect_dma source(%dma_start3A_69 : memref<8000x128xf32, #tpu.memory_space<hbm>>) target(%dma_start3A_65 : memref<50x128xf32, #tpu.memory_space<vmem>>) offsets(%dma_start3A_66 : memref<50xi32, #tpu.memory_space<vmem>>) semaphore(%arg8 : memref<!tpu.dma_semaphore, #tpu.memory_space<semaphore_mem>>)
      %add3A_70 = arith.constant 336 : i32
      %add3A_71 = arith.addi %multiple_of3A, %add3A_70 : i32
      %dma_start3A_72 = arith.constant 0 : i32
      %dma_start3A_73 = arith.constant 768 : i32
      %dma_start3A_74 = tpu.memref_slice %arg6[%dma_start3A_72, %dma_start3A_73] : memref<50x1000xf32, #tpu.memory_space<vmem>> -> memref<50x128xf32, #tpu.memory_space<vmem>>
      %dma_start3A_75 = tpu.memref_slice %arg5[%add3A_71] : memref<14336xi32, #tpu.memory_space<vmem>> -> memref<50xi32, #tpu.memory_space<vmem>>
      %dma_start3A_76 = arith.constant 0 : i32
      %dma_start3A_77 = arith.constant 0 : i32
      %dma_start3A_78 = tpu.memref_slice %arg2[%dma_start3A_76, %dma_start3A_77] : memref<8000x128xf32, #tpu.memory_space<hbm>> -> memref<8000x128xf32, #tpu.memory_space<hbm>>
      tpu.enqueue_indirect_dma source(%dma_start3A_78 : memref<8000x128xf32, #tpu.memory_space<hbm>>) target(%dma_start3A_74 : memref<50x128xf32, #tpu.memory_space<vmem>>) offsets(%dma_start3A_75 : memref<50xi32, #tpu.memory_space<vmem>>) semaphore(%arg8 : memref<!tpu.dma_semaphore, #tpu.memory_space<semaphore_mem>>)
      %add3A_79 = arith.constant 392 : i32
      %add3A_80 = arith.addi %multiple_of3A, %add3A_79 : i32
      %dma_start3A_81 = tpu.memref_slice %arg5[%add3A_80] : memref<14336xi32, #tpu.memory_space<vmem>> -> memref<50xi32, #tpu.memory_space<vmem>>
      %dma_start3A_82 = arith.constant 0 : i32
      %dma_start3A_83 = arith.constant 0 : i32
      %dma_start3A_84 = tpu.memref_slice %arg2[%dma_start3A_82, %dma_start3A_83] : memref<8000x128xf32, #tpu.memory_space<hbm>> -> memref<8000x128xf32, #tpu.memory_space<hbm>>
      tpu.enqueue_indirect_dma source(%dma_start3A_84 : memref<8000x128xf32, #tpu.memory_space<hbm>>) target(%arg7 : memref<50x128xf32, #tpu.memory_space<vmem>>) offsets(%dma_start3A_81 : memref<50xi32, #tpu.memory_space<vmem>>) semaphore(%arg8 : memref<!tpu.dma_semaphore, #tpu.memory_space<semaphore_mem>>)
      %dma_wait3A = arith.constant 0 : i32
      %dma_wait3A_85 = arith.constant 0 : i32
      %dma_wait3A_86 = tpu.memref_slice %arg6[%dma_wait3A, %dma_wait3A_85] : memref<50x1000xf32, #tpu.memory_space<vmem>> -> memref<50x128xf32, #tpu.memory_space<vmem>>
      %dma_wait3A_87 = tpu.memref_slice %arg5[%add3A_18] : memref<14336xi32, #tpu.memory_space<vmem>> -> memref<50xi32, #tpu.memory_space<vmem>>
      %dma_wait3A_88 = arith.constant 0 : i32
      %dma_wait3A_89 = arith.constant 0 : i32
      %dma_wait3A_90 = tpu.memref_slice %arg2[%dma_wait3A_88, %dma_wait3A_89] : memref<8000x128xf32, #tpu.memory_space<hbm>> -> memref<8000x128xf32, #tpu.memory_space<hbm>>
      tpu.wait_indirect_dma semaphore(%arg8 : memref<!tpu.dma_semaphore, #tpu.memory_space<semaphore_mem>>) src(%dma_wait3A_90 : memref<8000x128xf32, #tpu.memory_space<hbm>>) dst(%dma_wait3A_86 : memref<50x128xf32, #tpu.memory_space<vmem>>)
      %dma_wait3A_91 = arith.constant 0 : i32
      %dma_wait3A_92 = arith.constant 128 : i32
      %dma_wait3A_93 = tpu.memref_slice %arg6[%dma_wait3A_91, %dma_wait3A_92] : memref<50x1000xf32, #tpu.memory_space<vmem>> -> memref<50x128xf32, #tpu.memory_space<vmem>>
      %dma_wait3A_94 = tpu.memref_slice %arg5[%add3A_26] : memref<14336xi32, #tpu.memory_space<vmem>> -> memref<50xi32, #tpu.memory_space<vmem>>
      %dma_wait3A_95 = arith.constant 0 : i32
      %dma_wait3A_96 = arith.constant 0 : i32
      %dma_wait3A_97 = tpu.memref_slice %arg2[%dma_wait3A_95, %dma_wait3A_96] : memref<8000x128xf32, #tpu.memory_space<hbm>> -> memref<8000x128xf32, #tpu.memory_space<hbm>>
      tpu.wait_indirect_dma semaphore(%arg8 : memref<!tpu.dma_semaphore, #tpu.memory_space<semaphore_mem>>) src(%dma_wait3A_97 : memref<8000x128xf32, #tpu.memory_space<hbm>>) dst(%dma_wait3A_93 : memref<50x128xf32, #tpu.memory_space<vmem>>)
      %dma_wait3A_98 = arith.constant 0 : i32
      %dma_wait3A_99 = arith.constant 256 : i32
      %dma_wait3A_100 = tpu.memref_slice %arg6[%dma_wait3A_98, %dma_wait3A_99] : memref<50x1000xf32, #tpu.memory_space<vmem>> -> memref<50x128xf32, #tpu.memory_space<vmem>>
      %dma_wait3A_101 = tpu.memref_slice %arg5[%add3A_35] : memref<14336xi32, #tpu.memory_space<vmem>> -> memref<50xi32, #tpu.memory_space<vmem>>
      %dma_wait3A_102 = arith.constant 0 : i32
      %dma_wait3A_103 = arith.constant 0 : i32
      %dma_wait3A_104 = tpu.memref_slice %arg2[%dma_wait3A_102, %dma_wait3A_103] : memref<8000x128xf32, #tpu.memory_space<hbm>> -> memref<8000x128xf32, #tpu.memory_space<hbm>>
      tpu.wait_indirect_dma semaphore(%arg8 : memref<!tpu.dma_semaphore, #tpu.memory_space<semaphore_mem>>) src(%dma_wait3A_104 : memref<8000x128xf32, #tpu.memory_space<hbm>>) dst(%dma_wait3A_100 : memref<50x128xf32, #tpu.memory_space<vmem>>)
      %dma_wait3A_105 = arith.constant 0 : i32
      %dma_wait3A_106 = arith.constant 384 : i32
      %dma_wait3A_107 = tpu.memref_slice %arg6[%dma_wait3A_105, %dma_wait3A_106] : memref<50x1000xf32, #tpu.memory_space<vmem>> -> memref<50x128xf32, #tpu.memory_space<vmem>>
      %dma_wait3A_108 = tpu.memref_slice %arg5[%add3A_44] : memref<14336xi32, #tpu.memory_space<vmem>> -> memref<50xi32, #tpu.memory_space<vmem>>
      %dma_wait3A_109 = arith.constant 0 : i32
      %dma_wait3A_110 = arith.constant 0 : i32
      %dma_wait3A_111 = tpu.memref_slice %arg2[%dma_wait3A_109, %dma_wait3A_110] : memref<8000x128xf32, #tpu.memory_space<hbm>> -> memref<8000x128xf32, #tpu.memory_space<hbm>>
      tpu.wait_indirect_dma semaphore(%arg8 : memref<!tpu.dma_semaphore, #tpu.memory_space<semaphore_mem>>) src(%dma_wait3A_111 : memref<8000x128xf32, #tpu.memory_space<hbm>>) dst(%dma_wait3A_107 : memref<50x128xf32, #tpu.memory_space<vmem>>)
      %dma_wait3A_112 = arith.constant 0 : i32
      %dma_wait3A_113 = arith.constant 512 : i32
      %dma_wait3A_114 = tpu.memref_slice %arg6[%dma_wait3A_112, %dma_wait3A_113] : memref<50x1000xf32, #tpu.memory_space<vmem>> -> memref<50x128xf32, #tpu.memory_space<vmem>>
      %dma_wait3A_115 = tpu.memref_slice %arg5[%add3A_53] : memref<14336xi32, #tpu.memory_space<vmem>> -> memref<50xi32, #tpu.memory_space<vmem>>
      %dma_wait3A_116 = arith.constant 0 : i32
      %dma_wait3A_117 = arith.constant 0 : i32
      %dma_wait3A_118 = tpu.memref_slice %arg2[%dma_wait3A_116, %dma_wait3A_117] : memref<8000x128xf32, #tpu.memory_space<hbm>> -> memref<8000x128xf32, #tpu.memory_space<hbm>>
      tpu.wait_indirect_dma semaphore(%arg8 : memref<!tpu.dma_semaphore, #tpu.memory_space<semaphore_mem>>) src(%dma_wait3A_118 : memref<8000x128xf32, #tpu.memory_space<hbm>>) dst(%dma_wait3A_114 : memref<50x128xf32, #tpu.memory_space<vmem>>)
      %dma_wait3A_119 = arith.constant 0 : i32
      %dma_wait3A_120 = arith.constant 640 : i32
      %dma_wait3A_121 = tpu.memref_slice %arg6[%dma_wait3A_119, %dma_wait3A_120] : memref<50x1000xf32, #tpu.memory_space<vmem>> -> memref<50x128xf32, #tpu.memory_space<vmem>>
      %dma_wait3A_122 = tpu.memref_slice %arg5[%add3A_62] : memref<14336xi32, #tpu.memory_space<vmem>> -> memref<50xi32, #tpu.memory_space<vmem>>
      %dma_wait3A_123 = arith.constant 0 : i32
      %dma_wait3A_124 = arith.constant 0 : i32
      %dma_wait3A_125 = tpu.memref_slice %arg2[%dma_wait3A_123, %dma_wait3A_124] : memref<8000x128xf32, #tpu.memory_space<hbm>> -> memref<8000x128xf32, #tpu.memory_space<hbm>>
      tpu.wait_indirect_dma semaphore(%arg8 : memref<!tpu.dma_semaphore, #tpu.memory_space<semaphore_mem>>) src(%dma_wait3A_125 : memref<8000x128xf32, #tpu.memory_space<hbm>>) dst(%dma_wait3A_121 : memref<50x128xf32, #tpu.memory_space<vmem>>)
      %dma_wait3A_126 = arith.constant 0 : i32
      %dma_wait3A_127 = arith.constant 768 : i32
      %dma_wait3A_128 = tpu.memref_slice %arg6[%dma_wait3A_126, %dma_wait3A_127] : memref<50x1000xf32, #tpu.memory_space<vmem>> -> memref<50x128xf32, #tpu.memory_space<vmem>>
      %dma_wait3A_129 = tpu.memref_slice %arg5[%add3A_71] : memref<14336xi32, #tpu.memory_space<vmem>> -> memref<50xi32, #tpu.memory_space<vmem>>
      %dma_wait3A_130 = arith.constant 0 : i32
      %dma_wait3A_131 = arith.constant 0 : i32
      %dma_wait3A_132 = tpu.memref_slice %arg2[%dma_wait3A_130, %dma_wait3A_131] : memref<8000x128xf32, #tpu.memory_space<hbm>> -> memref<8000x128xf32, #tpu.memory_space<hbm>>
      tpu.wait_indirect_dma semaphore(%arg8 : memref<!tpu.dma_semaphore, #tpu.memory_space<semaphore_mem>>) src(%dma_wait3A_132 : memref<8000x128xf32, #tpu.memory_space<hbm>>) dst(%dma_wait3A_128 : memref<50x128xf32, #tpu.memory_space<vmem>>)
      %dma_wait3A_133 = tpu.memref_slice %arg5[%add3A_80] : memref<14336xi32, #tpu.memory_space<vmem>> -> memref<50xi32, #tpu.memory_space<vmem>>
      %dma_wait3A_134 = arith.constant 0 : i32
      %dma_wait3A_135 = arith.constant 0 : i32
      %dma_wait3A_136 = tpu.memref_slice %arg2[%dma_wait3A_134, %dma_wait3A_135] : memref<8000x128xf32, #tpu.memory_space<hbm>> -> memref<8000x128xf32, #tpu.memory_space<hbm>>
      tpu.wait_indirect_dma semaphore(%arg8 : memref<!tpu.dma_semaphore, #tpu.memory_space<semaphore_mem>>) src(%dma_wait3A_136 : memref<8000x128xf32, #tpu.memory_space<hbm>>) dst(%arg7 : memref<50x128xf32, #tpu.memory_space<vmem>>)
      %scan3A_137 = arith.constant 0 : i32
      %scan3A_138 = arith.constant 0 : i32
      %scan3A_139 = arith.constant 50 : i32
      %scan3A_140 = arith.addi %scan3A_138, %scan3A_139 : i32
      %scan3A_141 = arith.constant 1 : i32
      scf.for %scan3A_144 = %scan3A_138 to %scan3A_140 step %scan3A_141  : i32 {
        %get3A = arith.index_cast %scan3A_144 : i32 to index
        %get3A_145 = arith.constant 0 : index
        %get3A_146 = tpu.vector_load %arg7[%get3A, %get3A_145] {strides = array<i32>} : memref<50x128xf32, #tpu.memory_space<vmem>>, vector<16xf32>,
        %swap3A = arith.index_cast %scan3A_144 : i32 to index
        %swap3A_147 = arith.constant 896 : index
        %swap3A_148 = tpu.vector_load %arg6[%swap3A, %swap3A_147] {strides = array<i32>} : memref<50x1000xf32, #tpu.memory_space<vmem>>, vector<16xf32>,
        tpu.vector_store %arg6[%swap3A, %swap3A_147], %get3A_146 {strides = array<i32>} : memref<50x1000xf32, #tpu.memory_space<vmem>>, vector<16xf32>,
        %get3A_149 = arith.index_cast %scan3A_144 : i32 to index
        %get3A_150 = arith.constant 16 : index
        %get3A_151 = tpu.vector_load %arg7[%get3A_149, %get3A_150] {strides = array<i32>} : memref<50x128xf32, #tpu.memory_space<vmem>>, vector<16xf32>,
        %swap3A_152 = arith.index_cast %scan3A_144 : i32 to index
        %swap3A_153 = arith.constant 912 : index
        %swap3A_154 = tpu.vector_load %arg6[%swap3A_152, %swap3A_153] {strides = array<i32>} : memref<50x1000xf32, #tpu.memory_space<vmem>>, vector<16xf32>,
        tpu.vector_store %arg6[%swap3A_152, %swap3A_153], %get3A_151 {strides = array<i32>} : memref<50x1000xf32, #tpu.memory_space<vmem>>, vector<16xf32>,
        %get3A_155 = arith.index_cast %scan3A_144 : i32 to index
        %get3A_156 = arith.constant 32 : index
        %get3A_157 = tpu.vector_load %arg7[%get3A_155, %get3A_156] {strides = array<i32>} : memref<50x128xf32, #tpu.memory_space<vmem>>, vector<16xf32>,
        %swap3A_158 = arith.index_cast %scan3A_144 : i32 to index
        %swap3A_159 = arith.constant 928 : index
        %swap3A_160 = tpu.vector_load %arg6[%swap3A_158, %swap3A_159] {strides = array<i32>} : memref<50x1000xf32, #tpu.memory_space<vmem>>, vector<16xf32>,
        tpu.vector_store %arg6[%swap3A_158, %swap3A_159], %get3A_157 {strides = array<i32>} : memref<50x1000xf32, #tpu.memory_space<vmem>>, vector<16xf32>,
        %get3A_161 = arith.index_cast %scan3A_144 : i32 to index
        %get3A_162 = arith.constant 48 : index
        %get3A_163 = tpu.vector_load %arg7[%get3A_161, %get3A_162] {strides = array<i32>} : memref<50x128xf32, #tpu.memory_space<vmem>>, vector<16xf32>,
        %swap3A_164 = arith.index_cast %scan3A_144 : i32 to index
        %swap3A_165 = arith.constant 944 : index
        %swap3A_166 = tpu.vector_load %arg6[%swap3A_164, %swap3A_165] {strides = array<i32>} : memref<50x1000xf32, #tpu.memory_space<vmem>>, vector<16xf32>,
        tpu.vector_store %arg6[%swap3A_164, %swap3A_165], %get3A_163 {strides = array<i32>} : memref<50x1000xf32, #tpu.memory_space<vmem>>, vector<16xf32>,
        %get3A_167 = arith.index_cast %scan3A_144 : i32 to index
        %get3A_168 = arith.constant 64 : index
        %get3A_169 = tpu.vector_load %arg7[%get3A_167, %get3A_168] {strides = array<i32>} : memref<50x128xf32, #tpu.memory_space<vmem>>, vector<16xf32>,
        %swap3A_170 = arith.index_cast %scan3A_144 : i32 to index
        %swap3A_171 = arith.constant 960 : index
        %swap3A_172 = tpu.vector_load %arg6[%swap3A_170, %swap3A_171] {strides = array<i32>} : memref<50x1000xf32, #tpu.memory_space<vmem>>, vector<16xf32>,
        tpu.vector_store %arg6[%swap3A_170, %swap3A_171], %get3A_169 {strides = array<i32>} : memref<50x1000xf32, #tpu.memory_space<vmem>>, vector<16xf32>,
        %get3A_173 = arith.index_cast %scan3A_144 : i32 to index
        %get3A_174 = arith.constant 80 : index
        %get3A_175 = tpu.vector_load %arg7[%get3A_173, %get3A_174] {strides = array<i32>} : memref<50x128xf32, #tpu.memory_space<vmem>>, vector<16xf32>,
        %swap3A_176 = arith.index_cast %scan3A_144 : i32 to index
        %swap3A_177 = arith.constant 976 : index
        %swap3A_178 = tpu.vector_load %arg6[%swap3A_176, %swap3A_177] {strides = array<i32>} : memref<50x1000xf32, #tpu.memory_space<vmem>>, vector<16xf32>,
        tpu.vector_store %arg6[%swap3A_176, %swap3A_177], %get3A_175 {strides = array<i32>} : memref<50x1000xf32, #tpu.memory_space<vmem>>, vector<16xf32>,
        %broadcast_in_dim3A = vector.broadcast %scan3A_144 : i32 to vector<16xi32>
        %add3A_179 = arith.constant 96 : i32
        %add3A_180 = vector.broadcast %add3A_179 : i32 to vector<16xi32>
        %add3A_181 = arith.addi %add3A_180, %and3A_6 : vector<16xi32>
        %gather3A = tpu.vector_load_idx %arg7[%broadcast_in_dim3A, %add3A_181] masked %lt3A_8 : memref<50x128xf32, #tpu.memory_space<vmem>>[vector<16xi32>, vector<16xi32>], vector<16xf32>, vector<16xi1>
        %add3A_182 = arith.constant 992 : i32
        %add3A_183 = vector.broadcast %add3A_182 : i32 to vector<16xi32>
        %add3A_184 = arith.addi %add3A_183, %and3A_6 : vector<16xi32>
        tpu.vector_store_idx %arg6[%broadcast_in_dim3A, %add3A_184], %gather3A masked %lt3A_8 : memref<50x1000xf32, #tpu.memory_space<vmem>>[vector<16xi32>, vector<16xi32>], vector<16xf32>, vector<16xi1>
      }
      %scan3A_142 = arith.constant 50 : i32
      %add3A_143 = arith.addi %mul3A_2, %scan3A_14 : i32
      "tpu.region"() ({
        %run_scoped3A = tpu.sem_alloc : memref<!tpu.dma_semaphore, #tpu.memory_space<semaphore_mem>>
        %dma_start3A_144 = arith.constant 0 : i32
        %dma_start3A_145 = arith.constant 0 : i32
        %dma_start3A_146 = tpu.memref_slice %arg4[%add3A_143, %dma_start3A_144, %dma_start3A_145] : memref<1024x50x1000xf32, #tpu.memory_space<hbm>> -> memref<1x50x1000xf32, #tpu.memory_space<hbm>>
        %dma_start3A_147 = tpu.memref_squeeze %dma_start3A_146 : memref<1x50x1000xf32, #tpu.memory_space<hbm>> -> memref<50x1000xf32, #tpu.memory_space<hbm>>
        %dma_start3A_148 = arith.constant 0 : i32
        %dma_start3A_149 = arith.constant 0 : i32
        %dma_start3A_150 = tpu.memref_slice %arg4[%add3A_143, %dma_start3A_148, %dma_start3A_149] : memref<1024x50x1000xf32, #tpu.memory_space<hbm>> -> memref<1x50x1000xf32, #tpu.memory_space<hbm>>
        %dma_start3A_151 = tpu.memref_squeeze %dma_start3A_150 : memref<1x50x1000xf32, #tpu.memory_space<hbm>> -> memref<50x1000xf32, #tpu.memory_space<hbm>>
        tpu.enqueue_dma source(%arg6 : memref<50x1000xf32, #tpu.memory_space<vmem>>) target(%dma_start3A_151 : memref<50x1000xf32, #tpu.memory_space<hbm>>) target_semaphore(%run_scoped3A : memref<!tpu.dma_semaphore, #tpu.memory_space<semaphore_mem>>)
        %dma_wait3A_152 = arith.constant 0 : i32
        %dma_wait3A_153 = arith.constant 0 : i32
        %dma_wait3A_154 = tpu.memref_slice %arg4[%add3A_143, %dma_wait3A_152, %dma_wait3A_153] : memref<1024x50x1000xf32, #tpu.memory_space<hbm>> -> memref<1x50x1000xf32, #tpu.memory_space<hbm>>
        %dma_wait3A_155 = tpu.memref_squeeze %dma_wait3A_154 : memref<1x50x1000xf32, #tpu.memory_space<hbm>> -> memref<50x1000xf32, #tpu.memory_space<hbm>>
        %dma_wait3A_156 = arith.constant 0 : i32
        %dma_wait3A_157 = arith.constant 0 : i32
        %dma_wait3A_158 = tpu.memref_slice %arg4[%add3A_143, %dma_wait3A_156, %dma_wait3A_157] : memref<1024x50x1000xf32, #tpu.memory_space<hbm>> -> memref<1x50x1000xf32, #tpu.memory_space<hbm>>
        %dma_wait3A_159 = tpu.memref_squeeze %dma_wait3A_158 : memref<1x50x1000xf32, #tpu.memory_space<hbm>> -> memref<50x1000xf32, #tpu.memory_space<hbm>>
        tpu.wait_dma2 semaphore(%run_scoped3A : memref<!tpu.dma_semaphore, #tpu.memory_space<semaphore_mem>>) src(%arg6 : memref<50x1000xf32, #tpu.memory_space<vmem>>) dst(%dma_wait3A_159 : memref<50x1000xf32, #tpu.memory_space<hbm>>)
        tpu.yield
      }) : () -> ()
    }
    %scan3A_13 = arith.constant 32 : i32
    return
  }
}

module attributes {stable_mosaic.version = 14 : i64} {
  func.func @_table_body(%arg0: memref<1000x64xf32, #tpu.memory_space<vmem>>, %arg1: memref<64x32xf32, #tpu.memory_space<vmem>>, %arg2: memref<1x32xf32, #tpu.memory_space<vmem>>, %arg3: memref<32x1024xf32, #tpu.memory_space<vmem>>, %arg4: memref<1x1024xf32, #tpu.memory_space<vmem>>, %arg5: memref<1000x1024xf32, #tpu.memory_space<vmem>>) attributes {dimension_semantics = [], scalar_prefetch = 0 : i64, scratch_operands = 0 : i64, tpu.core_type = #tpu.core_type<tc>} {
    %get3A = arith.constant 0 : index
    %get3A_0 = arith.constant 0 : index
    %get3A_1 = vector.load %arg0[%get3A, %get3A_0] : memref<1000x64xf32, #tpu.memory_space<vmem>>, vector<1000x64xf32>
    %get3A_2 = arith.constant 0 : index
    %get3A_3 = arith.constant 0 : index
    %get3A_4 = vector.load %arg1[%get3A_2, %get3A_3] : memref<64x32xf32, #tpu.memory_space<vmem>>, vector<64x32xf32>
    %dot_general3A = arith.constant dense<0.000000e+00> : vector<1000x32xf32>
    %dot_general3A_5 = tpu.matmul %get3A_1, %get3A_4, %dot_general3A {dimension_numbers = #tpu.dot_dimension_numbers<[1], [0], [0], [1], [0, 0, 1, 1], [], []>, transpose_lhs_hint = false} : vector<1000x64xf32>, vector<64x32xf32>, vector<1000x32xf32> -> vector<1000x32xf32>
    %get3A_6 = arith.constant 0 : index
    %get3A_7 = arith.constant 0 : index
    %get3A_8 = vector.load %arg2[%get3A_6, %get3A_7] : memref<1x32xf32, #tpu.memory_space<vmem>>, vector<1x32xf32>
    %add3A = vector.broadcast %get3A_8 : vector<1x32xf32> to vector<1000x32xf32>
    %add3A_9 = arith.addf %dot_general3A_5, %add3A : vector<1000x32xf32>
    %max3A = arith.constant 0.000000e+00 : f32
    %max3A_10 = vector.broadcast %max3A : f32 to vector<1000x32xf32>
    %max3A_11 = arith.maximumf %add3A_9, %max3A_10 : vector<1000x32xf32>
    %get3A_12 = arith.constant 0 : index
    %get3A_13 = arith.constant 0 : index
    %get3A_14 = vector.load %arg3[%get3A_12, %get3A_13] : memref<32x1024xf32, #tpu.memory_space<vmem>>, vector<32x1024xf32>
    %dot_general3A_15 = arith.constant dense<0.000000e+00> : vector<1000x1024xf32>
    %dot_general3A_16 = tpu.matmul %max3A_11, %get3A_14, %dot_general3A_15 {dimension_numbers = #tpu.dot_dimension_numbers<[1], [0], [0], [1], [0, 0, 1, 1], [], []>, transpose_lhs_hint = false} : vector<1000x32xf32>, vector<32x1024xf32>, vector<1000x1024xf32> -> vector<1000x1024xf32>
    %get3A_17 = arith.constant 0 : index
    %get3A_18 = arith.constant 0 : index
    %get3A_19 = vector.load %arg4[%get3A_17, %get3A_18] : memref<1x1024xf32, #tpu.memory_space<vmem>>, vector<1x1024xf32>
    %add3A_20 = vector.broadcast %get3A_19 : vector<1x1024xf32> to vector<1000x1024xf32>
    %add3A_21 = arith.addf %dot_general3A_16, %add3A_20 : vector<1000x1024xf32>
    %swap3A = arith.constant 0 : index
    %swap3A_22 = arith.constant 0 : index
    %swap3A_23 = vector.load %arg5[%swap3A, %swap3A_22] : memref<1000x1024xf32, #tpu.memory_space<vmem>>, vector<1000x1024xf32>
    tpu.vector_store %arg5[%swap3A, %swap3A_22], %add3A_21 {strides = array<i32>} : memref<1000x1024xf32, #tpu.memory_space<vmem>>, vector<1000x1024xf32>,
    return
  }
}

</mosaic_0001>

<sc_bundles>
// kernel: kernel.4.cloned.1.call-start
scs
__scs_entry_jumppad:
0x0: {  	(pc) =	sbr.rel $0x88, $3  }
0x1: {  	(tag) =	ssettag $0x0;
	lr =	simm.s32 $0x1  }
0x2: {  	[smem:$0x3F9B] =	sst lr;
	_ =	strace $0xD0000000  }
0x3: {  	_ = 	snop  }
0x4: {  	_ = 	snop  }
0x5: {  	_ = 	snop  }
0x6: {  	_ = 	snop  }
0x7: {  	_ = 	snop  }
__scs_overlays_trampoline_lowered:
0x8: {  	[smem:$0x3FAA] =	sst s0  }
0x9: {  	[smem:$0x3FAB] =	sst s1  }
0xa: {  	[smem:$0x3FAC] =	sst s2  }
0xb: {  	[smem:$0x3FAD] =	sst s3  }
0xc: {  	[smem:$0x3FAE] =	sst s4  }
0xd: {  	[smem:$0x3FAF] =	sst s5  }
0xe: {  	[smem:$0x3FB0] =	sst s6  }
0xf: {  	[smem:$0x3FB1] =	sst s7  }
0x10: {  	[smem:$0x3FB2] =	sst s8  }
0x11: {  	[smem:$0x3FB3] =	sst s9;
	s0 =	simm.s32 @!p0 $0x0  }
0x12: {  	s1 =	sld [smem:$0x3F99];
	s0 =	simm.s32 @p0 $0x1  }
0x13: {  	[smem:$0x3FB4] =	sst s0;
	s0 =	simm.s32 @!p1 $0x0  }
0x14: {  	s2 =	sld [smem:$0x3F98];
	s0 =	simm.s32 @p1 $0x1  }
0x15: {  	[smem:$0x3FB5] =	sst s0;
	s0 =	simm.s32 @!p2 $0x0  }
0x16: {  	s3 =	sld [smem:$0x3FDB];
	s0 =	simm.s32 @p2 $0x1  }
0x17: {  	s4 =	simm.s32 $0x1BF5;
	[smem:$0x3FB7] =	sst s0  }
0x18: {  	s0 =	sld [smem:$0x3F9A];
	_ =	swait.ge [sflag:s4], $0x0  }
0x19: {  	s7 =	sld [smem:$0x3F9B]  }
0x1a: {  	s8 =	sadd.s32 $0xFFFFE003, lr  }
0x1b: {  	s9 =	sadd.s32 $0xFFFFFEF7, lr;
	s5 =	simm.s32 $0xFFFFFFFF;
	p2 =	slt.u32 s8, $0xFFFFF086  }
0x1c: {  	p1 =	slt.u32 s9, $0xF7A;
	s5 =	simm.s32 @!p2 $0x0  }
0x1d: {  	s5 =	simm.s32 @p1 $0x1;
	p0 =	seq.s32 s7, s2  }
0x1e: {  	s7 =	smul.u32 @!p0 $0xF7A, s2;
	p2 =	seq.s32 @!p0 s5, $0x0  }
0x1f: {  	s9 =	smul.u32 $0xF7A, s1;
	s8 =	simm.s32 @!p0 $0x1BF5;
	p2 =	por !p2, p0  }
0x20: {  	[sflag:s8] =	ssyncset.s32 @!p0 $0xFFFFF086;
	s6 =	sadd.s32 @!p0 s3, s7;
	s7 =	simm.s32 @!p0 $0x108  }
0x21: {  	s3 =	sadd.s32 s3, s9;
	s6 =	sadd.s32 @!p0 $0x88, s6;
	s7 =	simm.s32 @p2 $0x1082  }
0x22: {  	[simem:s7], [sflag:s8] =	dma.local @!p0 [hbm:s6], $0xF7A  }
0x23: {  	s9 =	sor.u32 $0xD0000000, s2;
	s6 =	simm.s32 $0x108;
	_ =	swait.ge @!p0 [sflag:s8], $0x0  }
0x24: {  	s3 =	sadd.s32 $0x88, s3;
	s6 =	simm.s32 @!p1 $0x1082;
	[sflag:s4] =	ssyncset.s32 $0xFFFFF086  }
0x25: {  	[simem:s6], [sflag:s4] =	dma.local [hbm:s3], $0xF7A  }
0x26: {  	[smem:$0x3F9B] =	sst s1;
	(tag) =	ssettag s2;
	_ =	strace s9  }
0x27: {  	s1 =	sld [smem:$0x3FAB]  }
0x28: {  	s2 =	sld [smem:$0x3FAC]  }
0x29: {  	s4 =	sld [smem:$0x3FAE]  }
0x2a: {  	p0 =	seq.s32 s5, $0x0;
	s5 =	sld [smem:$0x3FAF]  }
0x2b: {  	s6 =	sld [smem:$0x3FB0]  }
0x2c: {  	s7 =	sld [smem:$0x3FB1]  }
0x2d: {  	s3 =	simm.s32 $0x108;
	s8 =	sld [smem:$0x3FB2]  }
0x2e: {  	s3 =	simm.s32 @!p0 $0x1082;
	s9 =	sld [smem:$0x3FB3]  }
0x2f: {  	lr =	sadd.s32 s0, s3;
	s0 =	sld [smem:$0x3FAA]  }
0x30: {  	s3 =	sld [smem:$0x3FAD]  }
0x31: {  	[smem:$0x3FB6] =	sst s10  }
0x32: {  	s10 =	sld [smem:$0x3FB4];
	_ =	sdelay $0x3  }
0x33: {  	p0 =	seq.s32 s10, $0x1;
	s10 =	sld [smem:$0x3FB6];
	_ =	sdelay $0x3  }
0x34: {  	[smem:$0x3FB6] =	sst s10  }
0x35: {  	s10 =	sld [smem:$0x3FB5];
	_ =	sdelay $0x3  }
0x36: {  	p1 =	seq.s32 s10, $0x1;
	s10 =	sld [smem:$0x3FB6];
	_ =	sdelay $0x3  }
0x37: {  	[smem:$0x3FB6] =	sst s10  }
0x38: {  	s10 =	sld [smem:$0x3FB7]  }
0x39: {  	_ = 	snop;
	(pc) =	sbr.ind lr, $3  }
0x3a: {  	_ = 	snop  }
0x3b: {  	_ = 	snop  }
0x3c: {  	p2 =	seq.s32 s10, $0x1;
	s10 =	sld [smem:$0x3FB6]  }
0x3d: {  	_ =	shalt  }
0x3e: {  	_ =	shalt  }
0x3f: {  	_ =	shalt  }
0x40: {  	_ =	shalt  }
0x41: {  	_ =	shalt  }
0x42: {  	_ =	shalt  }
0x43: {  	_ =	shalt  }
0x44: {  	_ =	shalt  }
0x45: {  	_ =	shalt  }
0x46: {  	_ =	shalt  }
0x47: {  	_ =	shalt  }
0x48: {  	_ =	shalt  }
0x49: {  	_ =	shalt  }
0x4a: {  	_ =	shalt  }
0x4b: {  	_ =	shalt  }
0x4c: {  	_ =	shalt  }
0x4d: {  	_ =	shalt  }
0x4e: {  	_ =	shalt  }
0x4f: {  	_ =	shalt  }
0x50: {  	_ =	shalt  }
0x51: {  	_ =	shalt  }
0x52: {  	_ =	shalt  }
0x53: {  	_ =	shalt  }
0x54: {  	_ =	shalt  }
0x55: {  	_ =	shalt  }
0x56: {  	_ =	shalt  }
0x57: {  	_ =	shalt  }
0x58: {  	_ =	shalt  }
0x59: {  	_ =	shalt  }
0x5a: {  	_ =	shalt  }
0x5b: {  	_ =	shalt  }
0x5c: {  	_ =	shalt  }
0x5d: {  	_ =	shalt  }
0x5e: {  	_ =	shalt  }
0x5f: {  	_ =	shalt  }
0x60: {  	_ =	shalt  }
0x61: {  	_ =	shalt  }
0x62: {  	_ =	shalt  }
0x63: {  	_ =	shalt  }
0x64: {  	_ =	shalt  }
0x65: {  	_ =	shalt  }
0x66: {  	_ =	shalt  }
0x67: {  	_ =	shalt  }
0x68: {  	_ =	shalt  }
0x69: {  	_ =	shalt  }
0x6a: {  	_ =	shalt  }
0x6b: {  	_ =	shalt  }
0x6c: {  	_ =	shalt  }
0x6d: {  	_ =	shalt  }
0x6e: {  	_ =	shalt  }
0x6f: {  	_ =	shalt  }
0x70: {  	_ =	shalt  }
0x71: {  	_ =	shalt  }
0x72: {  	_ =	shalt  }
0x73: {  	_ =	shalt  }
0x74: {  	_ =	shalt  }
0x75: {  	_ =	shalt  }
0x76: {  	_ =	shalt  }
0x77: {  	_ =	shalt  }
0x78: {  	_ =	shalt  }
0x79: {  	_ =	shalt  }
0x7a: {  	_ =	shalt  }
0x7b: {  	_ =	shalt  }
0x7c: {  	_ =	shalt  }
0x7d: {  	_ =	shalt  }
0x7e: {  	_ =	shalt  }
0x7f: {  	_ =	shalt  }
0x80: {  	_ =	shalt  }
0x81: {  	_ =	shalt  }
0x82: {  	_ =	shalt  }
0x83: {  	_ =	shalt  }
0x84: {  	_ =	shalt  }
0x85: {  	_ =	shalt  }
0x86: {  	_ =	shalt  }
0x87: {  	_ =	shalt  }
.Lfunc_end0:
.L_simem_size_0:
called_computation_lowered:
.L_overlay_start_0:
0x88: {  	s2 =	sld [smem:$0x3FD9]  }
0x89: {  	s3 =	sld [smem:$0x3FFE];
	_ =	sdelay $0x1  }
0x8a: {  	s1 =	srdreg.scid  }
0x8b: {  	s0 =	sand.u32 $0x1, s1  }
0x8c: {  	s17 =	sshll.u32 s0, $0xA;
	s2 =	sadd.s32 s3, s2  }
0x8d: {  	s2 =	sadd.s32 s2, s17  }
0x8e: {  	[smem:$0x3FC2] =	sst s2  }
0x8f: {  	_ = 	snop  }
0x90: {  	s2 =	sld [smem:$0x3FD0];
	(tm) =	ssettm $0x1  }
0x91: {  	s18 =	sld [smem:$0x3FFB];
	_ =	sdelay $0x3  }
0x92: {  	_ =	strace s18  }
0x93: {  	s3 =	sld [smem:$0x3FFC];
	_ =	sdelay $0x3  }
0x94: {  	_ =	strace s3  }
0x95: {  	s3 =	sld [smem:$0x3FFD];
	_ =	sdelay $0x3  }
0x96: {  	_ =	strace s3  }
0x97: {  	_ =	strace $0x8FFFFFFF  }
0x98: {  	s19 =	sld [smem:$0x3FDB];
	_ =	sdelay $0x1  }
0x99: {  	s4 =	simm.s32 $_scs_section_size  }
0x9a: {  	s5 =	simm.s32 $_size__tile_overlayer_lowered;
	s6 =	simm.s32 $_tile_overlayer_lowered  }
0x9b: {  	s22 =	simm.s32 $0x1BFF;
	s21 =	sshll.u32 s6, $0x1;
	s3 =	sadd.s32 s4, s19  }
0x9c: {  	s7 =	simm.s32 $0x0;
	s20 =	sshll.u32 s5, $0x1;
	s5 =	sadd.s32 s21, s3  }
0x9d: {  	[timem:s7], [sflag:s22] =	dma.local [hbm:s5], s20  }
0x9e: {  	_ =	swait.ge [sflag:s22], s20  }
0x9f: {  	s4 =	ssub.s32 $0x0, s20;
	[sflag:s22] =	ssyncset.done $0x0  }
0xa0: {  	[sflag:s22] =	ssyncadd.s32 s4;
	_ =	sdelay $0x1  }
0xa1: {  	s23 =	simm.s32 $0x1B8B  }
0xa2: {  	_ =	swait.ge [sflag:s23], $0x1  }
0xa3: {  	[sflag:s23] =	ssyncset.done $0x0  }
0xa4: {  	s25 =	simm.s32 $0x1B8E;
	s24 =	sld [smem:$0x3FFE];
	[sflag:s23] =	ssyncadd.s32 $0xFFFFFFFF  }
0xa5: {  	s26 =	simm.s32 $execute0_lowered;
	[smem:$0x3FD2] =	sst s25  }
0xa6: {  	s5 =	sshll.u32 s26, $0x1;
	_ =	strace $0x80000046;
	[dreg:$0x1] =	wrdreg $0xFFFFFFFF  }
0xa7: {  	s28 =	simm.s32 $_size_execute0_lowered;
	s3 =	sadd.s32 s3, s5;
	[dreg:$0x0] =	wrdreg $0x0  }
0xa8: {  	s5 =	sshll.u32 s28, $0x1;
	[dreg:$0x2] =	wrdreg s3  }
0xa9: {  	[dreg:$0x3] =	wrdreg s5  }
0xaa: {  	[dreg:$0x4] =	wrdreg $0xC0  }
0xab: {  	_ =	task [dreg:s7], $0x5FFFF  }
0xac: {  	[dreg:$0x1] =	wrdreg $0xFFFFFFFF  }
0xad: {  	[dreg:$0x0] =	wrdreg $0x60  }
0xae: {  	[dreg:$0x2] =	wrdreg s2  }
0xaf: {  	[dreg:$0x3] =	wrdreg s24  }
0xb0: {  	[dreg:$0x4] =	wrdreg $0x9  }
0xb1: {  	_ =	task.clear_ibuf [dreg:s7], $0x5FFFF;
	_ =	strace $0x90000046  }
0xb2: {  	s29 =	simm.s32 $0x9;
	_ =	strace $0x80000048  }
0xb3: {  	_ =	swait.ge [sflag:s29], $0x1  }
0xb4: {  	[sflag:s29] =	ssyncadd.s32 $0xFFFFFFFF  }
0xb5: {  	_ =	strace $0x90000048  }
0xb6: {  	_ =	sfence  }
0xb7: {  	s30 =	sld [smem:$0x0];
	_ =	sdelay $0x2  }
0xb8: {  	s31 =	sshll.u32 s1, $0xD;
	s1 =	sshrl.u32 s1, $0x2  }
0xb9: {  	s3 =	sand.u32 $0x4000, s31;
	s1 =	sadd.s32 s1, s30  }
0xba: {  	s0 =	sor.u32 s3, s0;
	s1 =	sshll.u32 s1, $0x11  }
0xbb: {  	s0 =	sor.u32 s1, s0  }
0xbc: {  	s0 =	sadd.s32 $0x8F2B, s0  }
0xbd: {  	[sflag:s0] =	ssyncadd.remote.s32 $0x1  }
0xbe: {  	_ =	sfence.sel $0xFFFF  }
0xbf: {  	[dreg:$0x0] =	wrdreg $0xFFFFFFFF;
	(pc) =	sbr.abs _section_cstart, $3  }
0xc0: {  	[dreg:$0x1] =	wrdreg $0xFFFFFFFF  }
0xc1: {  	_ =	task.clear_ibuf [dreg:s7], $0x2FFFF;
	_ =	strace $0x9FFFFFFF  }
0xc2: {  	(tm) =	ssettm $0x7FFFFFFF  }
0xc3: {  	_ =	shalt  }
tec
execute0_lowered:
.L_overlay_start_1:
0x0: {  	(tag) =	ssettag $0x1  }
0x1: {  	s2 =	rddreg [dreg:$0x0]  }
0x2: {  	s0 =	srdreg.scid;
	s3 =	stileid.u32  }
0x3: {  	s1 =	rddreg [dreg:$0x1];
	s4 =	simm.s32 $0x0;
	s8 =	simm.s32 $0x2  }
0x4: {  	s9 =	simm.s32 $0x3800;
	s17 =	simm.s32 $0x10800;
	s18 =	simm.s32 $0x4C00  }
0x5: {  	s19 =	simm.s32 $0x6C00;
	s20 =	simm.s32 $0x8C00;
	s21 =	simm.s32 $0xAC00  }
0x6: {  	s22 =	simm.s32 $0xCC00;
	s23 =	simm.s32 $0xEC00;
	s24 =	simm.s32 $0x10C00  }
0x7: {  	s28 =	simm.s32 $0x9000;
	s29 =	simm.s32 $0xB000;
	s30 =	simm.s32 $0xD000  }
0x8: {  	s31 =	simm.s32 $0xF000;
	s0 =	sand.u32 $0x1, s0;
	s3 =	sshll.u32 s3, $0x1  }
0x9: {  	s7 =	simm.s32 $0x1;
	s10 =	simm.s32 $0x0;
	s3 =	sor.u32 s0, s3  }
0xa: {  	[smem:$0x7FF] =	sst s4;
	s0 =	ssub.s32 $0x2, s0;
	s25 =	smul.u32 $0x700, s3  }
0xb: {  	s4 =	sadd.s32 $0xE600, s1;
	_ =	strace $0x80000047;
	s5 =	sshrl.u32 s0, $0x1  }
0xc: {  	s0 =	ssub.s32 s0, s5;
	s5 =	sshll.u32 s3, $0x5;
	s6 =	sadd.s32 s25, s1  }
0xd: {  	v2 =	vlaneseq.u32;
	vm0 =	vmmov $0xff;
	vm1 =	vmmov $0x3;
	s0 =	smax.u32 s0, $0x1;
	s25 =	simm.s32 $0x5000;
	s1 =	simm.s32 $0x11000  }
0xe: {  	v0 =	vand.u32 $0x7, v2;
	v1 =	vshrl.u32 v2, $0x3;
	v2 =	vor.u32 $0x8, v2;
	s26 =	sadd.s32 $0x600, s6;
	[dreg:$0x4] =	wrdreg s0;
	s0 =	simm.s32 $0x32  }
0xf: {  	v1 =	vmul.u32 $0x8, v1;
	v3 =	vor.u32 $0x60, v0;
	v4 =	vor.u32 $0x1C60, v0;
	s6 =	simm.s32 $0x11800;
	[dreg:$0x3] =	wrdreg s26;
	s26 =	simm.s32 $0x7000  }
.LBB2_1:
0x10: {  	[dreg:$0x5] =	wrdreg s10  }
0x11: {  	s3 =	simm.s32 $0x0;
	s16 =	rddreg [dreg:$0x3]  }
0x12: {  	[tilespmem:s3], [sflag:$0x2] =	stream.linear.gather [hbm4b:s16+s3], $0x3800, $0x38;
	[tilespmem:$0x13400] =	vst v63  }
0x13: {  	_ =	swait.ge [sflag:s8], $0x3800  }
0x14: {  	[sflag:s8] =	ssyncset.done $0x0  }
0x15: {  	s3 =	simm.s32 $0x0;
	[sflag:s8] =	ssyncadd.s32 $0xFFFFC800  }
.LBB2_2:
0x16: {  	s10 =	smul.u32 $0x700, s3;
	_ =	sdelay $0x1  }
0x17: {  	s11 =	sshra.s32 s10, $0x2  }
0x18: {  	v5 =	vld [tilespmem:s11+$0x0];
	_ =	sdelay $0x4  }
0x19: {  	v6 =	vperm.xlane v5, v0;
	_ =	sdelay $0x1  }
0x1a: {  	v5 =	vperm.xlane v5, v2;
	v6 =	vadd.s32 v1, v6;
	_ =	sdelay $0x1  }
0x1b: {  	v5 =	vadd.s32 v1, v5;
	_ =	sdelay $0x1  }
0x1c: {  	s10 =	simm.s32 $0x0  }
0x1d: {  	[tilespmem:s9], [sflag:$0x1] =	stream.indirect_vreg.gather [hbm4b:s2+s10], $0x80, v6, vm0, $0xb8;
	[tilespmem:$0x13400] =	vst v63  }
0x1e: {  	s12 =	simm.s32 $0x5800  }
0x1f: {  	[tilespmem:s12], [sflag:$0x1] =	stream.indirect_vreg.gather [hbm4b:s2+s10], $0x80, v5, vm0, $0xb8;
	[tilespmem:$0x13400] =	vst v63  }
0x20: {  	v5 =	vld [tilespmem:s11+$0x10];
	_ =	sdelay $0x4  }
0x21: {  	v6 =	vperm.xlane v5, v0;
	_ =	sdelay $0x1  }
0x22: {  	v5 =	vperm.xlane v5, v2;
	v6 =	vadd.s32 v1, v6;
	_ =	sdelay $0x1  }
0x23: {  	v5 =	vadd.s32 v1, v5;
	_ =	sdelay $0x1  }
0x24: {  	s13 =	simm.s32 $0x7800  }
0x25: {  	[tilespmem:s13], [sflag:$0x1] =	stream.indirect_vreg.gather [hbm4b:s2+s10], $0x80, v6, vm0, $0xb8;
	[tilespmem:$0x13400] =	vst v63  }
0x26: {  	s14 =	simm.s32 $0x9800  }
0x27: {  	[tilespmem:s14], [sflag:$0x1] =	stream.indirect_vreg.gather [hbm4b:s2+s10], $0x80, v5, vm0, $0xb8;
	[tilespmem:$0x13400] =	vst v63  }
0x28: {  	v5 =	vld [tilespmem:s11+$0x20];
	_ =	sdelay $0x4  }
0x29: {  	v6 =	vperm.xlane v5, v0;
	_ =	sdelay $0x1  }
0x2a: {  	v5 =	vperm.xlane v5, v2;
	v6 =	vadd.s32 v1, v6;
	_ =	sdelay $0x1  }
0x2b: {  	v5 =	vadd.s32 v1, v5;
	_ =	sdelay $0x1  }
0x2c: {  	s15 =	simm.s32 $0xB800  }
0x2d: {  	[tilespmem:s15], [sflag:$0x1] =	stream.indirect_vreg.gather [hbm4b:s2+s10], $0x80, v6, vm0, $0xb8;
	[tilespmem:$0x13400] =	vst v63  }
0x2e: {  	s16 =	simm.s32 $0xD800;
	s13 =	sor.u32 $0x30, s11  }
0x2f: {  	[tilespmem:s16], [sflag:$0x1] =	stream.indirect_vreg.gather [hbm4b:s2+s10], $0x80, v5, vm0, $0xb8;
	[tilespmem:$0x13400] =	vst v63  }
0x30: {  	v5 =	vld.msk [tilespmem:s13+$0x0], $0x3;
	_ =	sdelay $0x4  }
0x31: {  	v5 =	vperm.xlane v5, v0;
	_ =	sdelay $0x1  }
0x32: {  	v5 =	vadd.s32 v1, v5;
	_ =	sdelay $0x3  }
0x33: {  	s14 =	simm.s32 $0xF800  }
0x34: {  	[tilespmem:s14], [sflag:$0x1] =	stream.indirect_vreg.gather [hbm4b:s2+s10], $0x80, v5, vm1, $0xb8;
	[tilespmem:$0x13400] =	vst v63  }
0x35: {  	v5 =	vld [tilespmem:s11+$0x38];
	_ =	sdelay $0x4  }
0x36: {  	v6 =	vperm.xlane v5, v0;
	_ =	sdelay $0x1  }
0x37: {  	v5 =	vperm.xlane v5, v2;
	v6 =	vadd.s32 v1, v6;
	_ =	sdelay $0x1  }
0x38: {  	v5 =	vadd.s32 v1, v5;
	_ =	sdelay $0x1  }
0x39: {  	s15 =	simm.s32 $0x3C00  }
0x3a: {  	[tilespmem:s15], [sflag:$0x1] =	stream.indirect_vreg.gather [hbm4b:s2+s10], $0x80, v6, vm0, $0xb8;
	[tilespmem:$0x13400] =	vst v63  }
0x3b: {  	s16 =	simm.s32 $0x5C00  }
0x3c: {  	[tilespmem:s16], [sflag:$0x1] =	stream.indirect_vreg.gather [hbm4b:s2+s10], $0x80, v5, vm0, $0xb8;
	[tilespmem:$0x13400] =	vst v63  }
0x3d: {  	v5 =	vld [tilespmem:s11+$0x48];
	_ =	sdelay $0x4  }
0x3e: {  	v6 =	vperm.xlane v5, v0;
	_ =	sdelay $0x1  }
0x3f: {  	v5 =	vperm.xlane v5, v2;
	v6 =	vadd.s32 v1, v6;
	_ =	sdelay $0x1  }
0x40: {  	v5 =	vadd.s32 v1, v5;
	_ =	sdelay $0x1  }
0x41: {  	s13 =	simm.s32 $0x7C00  }
0x42: {  	[tilespmem:s13], [sflag:$0x1] =	stream.indirect_vreg.gather [hbm4b:s2+s10], $0x80, v6, vm0, $0xb8;
	[tilespmem:$0x13400] =	vst v63  }
0x43: {  	s14 =	simm.s32 $0x9C00  }
0x44: {  	[tilespmem:s14], [sflag:$0x1] =	stream.indirect_vreg.gather [hbm4b:s2+s10], $0x80, v5, vm0, $0xb8;
	[tilespmem:$0x13400] =	vst v63  }
0x45: {  	v5 =	vld [tilespmem:s11+$0x58];
	_ =	sdelay $0x4  }
0x46: {  	v6 =	vperm.xlane v5, v0;
	_ =	sdelay $0x1  }
0x47: {  	v5 =	vperm.xlane v5, v2;
	v6 =	vadd.s32 v1, v6;
	_ =	sdelay $0x1  }
0x48: {  	v5 =	vadd.s32 v1, v5;
	_ =	sdelay $0x1  }
0x49: {  	s15 =	simm.s32 $0xBC00  }
0x4a: {  	[tilespmem:s15], [sflag:$0x1] =	stream.indirect_vreg.gather [hbm4b:s2+s10], $0x80, v6, vm0, $0xb8;
	[tilespmem:$0x13400] =	vst v63  }
0x4b: {  	s16 =	simm.s32 $0xDC00  }
0x4c: {  	[tilespmem:s16], [sflag:$0x1] =	stream.indirect_vreg.gather [hbm4b:s2+s10], $0x80, v5, vm0, $0xb8;
	[tilespmem:$0x13400] =	vst v63  }
0x4d: {  	v5 =	vld.msk [tilespmem:s11+$0x68], $0x3;
	_ =	sdelay $0x4  }
0x4e: {  	v5 =	vperm.xlane v5, v0;
	_ =	sdelay $0x1  }
0x4f: {  	v5 =	vadd.s32 v1, v5;
	_ =	sdelay $0x3  }
0x50: {  	s13 =	simm.s32 $0xFC00  }
0x51: {  	[tilespmem:s13], [sflag:$0x1] =	stream.indirect_vreg.gather [hbm4b:s2+s10], $0x80, v5, vm1, $0xb8;
	[tilespmem:$0x13400] =	vst v63  }
0x52: {  	v5 =	vld [tilespmem:s11+$0x70];
	_ =	sdelay $0x4  }
0x53: {  	v6 =	vperm.xlane v5, v0;
	_ =	sdelay $0x1  }
0x54: {  	v5 =	vperm.xlane v5, v2;
	v6 =	vadd.s32 v1, v6;
	_ =	sdelay $0x1  }
0x55: {  	v5 =	vadd.s32 v1, v5;
	_ =	sdelay $0x1  }
0x56: {  	s14 =	simm.s32 $0x4000  }
0x57: {  	[tilespmem:s14], [sflag:$0x1] =	stream.indirect_vreg.gather [hbm4b:s2+s10], $0x80, v6, vm0, $0xb8;
	[tilespmem:$0x13400] =	vst v63  }
0x58: {  	s15 =	simm.s32 $0x6000  }
0x59: {  	[tilespmem:s15], [sflag:$0x1] =	stream.indirect_vreg.gather [hbm4b:s2+s10], $0x80, v5, vm0, $0xb8;
	[tilespmem:$0x13400] =	vst v63  }
0x5a: {  	v5 =	vld [tilespmem:s11+$0x80];
	_ =	sdelay $0x4  }
0x5b: {  	v6 =	vperm.xlane v5, v0;
	_ =	sdelay $0x1  }
0x5c: {  	v5 =	vperm.xlane v5, v2;
	v6 =	vadd.s32 v1, v6;
	_ =	sdelay $0x1  }
0x5d: {  	v5 =	vadd.s32 v1, v5;
	_ =	sdelay $0x1  }
0x5e: {  	s16 =	simm.s32 $0x8000  }
0x5f: {  	[tilespmem:s16], [sflag:$0x1] =	stream.indirect_vreg.gather [hbm4b:s2+s10], $0x80, v6, vm0, $0xb8;
	[tilespmem:$0x13400] =	vst v63  }
0x60: {  	s13 =	simm.s32 $0xA000  }
0x61: {  	[tilespmem:s13], [sflag:$0x1] =	stream.indirect_vreg.gather [hbm4b:s2+s10], $0x80, v5, vm0, $0xb8;
	[tilespmem:$0x13400] =	vst v63  }
0x62: {  	v5 =	vld [tilespmem:s11+$0x90];
	_ =	sdelay $0x4  }
0x63: {  	v6 =	vperm.xlane v5, v0;
	_ =	sdelay $0x1  }
0x64: {  	v5 =	vperm.xlane v5, v2;
	v6 =	vadd.s32 v1, v6;
	_ =	sdelay $0x1  }
0x65: {  	v5 =	vadd.s32 v1, v5;
	_ =	sdelay $0x1  }
0x66: {  	s14 =	simm.s32 $0xC000  }
0x67: {  	[tilespmem:s14], [sflag:$0x1] =	stream.indirect_vreg.gather [hbm4b:s2+s10], $0x80, v6, vm0, $0xb8;
	[tilespmem:$0x13400] =	vst v63  }
0x68: {  	s15 =	simm.s32 $0xE000  }
0x69: {  	[tilespmem:s15], [sflag:$0x1] =	stream.indirect_vreg.gather [hbm4b:s2+s10], $0x80, v5, vm0, $0xb8;
	[tilespmem:$0x13400] =	vst v63  }
0x6a: {  	v5 =	vld.msk [tilespmem:s11+$0xA0], $0x3;
	_ =	sdelay $0x4  }
0x6b: {  	v5 =	vperm.xlane v5, v0;
	_ =	sdelay $0x1  }
0x6c: {  	v5 =	vadd.s32 v1, v5;
	_ =	sdelay $0x3  }
0x6d: {  	s16 =	simm.s32 $0x10000  }
0x6e: {  	[tilespmem:s16], [sflag:$0x1] =	stream.indirect_vreg.gather [hbm4b:s2+s10], $0x80, v5, vm1, $0xb8;
	[tilespmem:$0x13400] =	vst v63  }
0x6f: {  	v5 =	vld [tilespmem:s11+$0xA8];
	_ =	sdelay $0x4  }
0x70: {  	v6 =	vperm.xlane v5, v0;
	_ =	sdelay $0x1  }
0x71: {  	v5 =	vperm.xlane v5, v2;
	v6 =	vadd.s32 v1, v6;
	_ =	sdelay $0x1  }
0x72: {  	v5 =	vadd.s32 v1, v5;
	_ =	sdelay $0x1  }
0x73: {  	s13 =	simm.s32 $0x4400  }
0x74: {  	[tilespmem:s13], [sflag:$0x1] =	stream.indirect_vreg.gather [hbm4b:s2+s10], $0x80, v6, vm0, $0xb8;
	[tilespmem:$0x13400] =	vst v63  }
0x75: {  	s14 =	simm.s32 $0x6400  }
0x76: {  	[tilespmem:s14], [sflag:$0x1] =	stream.indirect_vreg.gather [hbm4b:s2+s10], $0x80, v5, vm0, $0xb8;
	[tilespmem:$0x13400] =	vst v63  }
0x77: {  	v5 =	vld [tilespmem:s11+$0xB8];
	_ =	sdelay $0x4  }
0x78: {  	v6 =	vperm.xlane v5, v0;
	_ =	sdelay $0x1  }
0x79: {  	v5 =	vperm.xlane v5, v2;
	v6 =	vadd.s32 v1, v6;
	_ =	sdelay $0x1  }
0x7a: {  	v5 =	vadd.s32 v1, v5;
	_ =	sdelay $0x1  }
0x7b: {  	s15 =	simm.s32 $0x8400  }
0x7c: {  	[tilespmem:s15], [sflag:$0x1] =	stream.indirect_vreg.gather [hbm4b:s2+s10], $0x80, v6, vm0, $0xb8;
	[tilespmem:$0x13400] =	vst v63  }
0x7d: {  	s16 =	simm.s32 $0xA400  }
0x7e: {  	[tilespmem:s16], [sflag:$0x1] =	stream.indirect_vreg.gather [hbm4b:s2+s10], $0x80, v5, vm0, $0xb8;
	[tilespmem:$0x13400] =	vst v63  }
0x7f: {  	v5 =	vld [tilespmem:s11+$0xC8];
	_ =	sdelay $0x4  }
0x80: {  	v6 =	vperm.xlane v5, v0;
	_ =	sdelay $0x1  }
0x81: {  	v5 =	vperm.xlane v5, v2;
	v6 =	vadd.s32 v1, v6;
	_ =	sdelay $0x1  }
0x82: {  	v5 =	vadd.s32 v1, v5;
	_ =	sdelay $0x1  }
0x83: {  	s13 =	simm.s32 $0xC400  }
0x84: {  	[tilespmem:s13], [sflag:$0x1] =	stream.indirect_vreg.gather [hbm4b:s2+s10], $0x80, v6, vm0, $0xb8;
	[tilespmem:$0x13400] =	vst v63  }
0x85: {  	s14 =	simm.s32 $0xE400  }
0x86: {  	[tilespmem:s14], [sflag:$0x1] =	stream.indirect_vreg.gather [hbm4b:s2+s10], $0x80, v5, vm0, $0xb8;
	[tilespmem:$0x13400] =	vst v63  }
0x87: {  	v5 =	vld.msk [tilespmem:s11+$0xD8], $0x3;
	_ =	sdelay $0x4  }
0x88: {  	v5 =	vperm.xlane v5, v0;
	_ =	sdelay $0x1  }
0x89: {  	v5 =	vadd.s32 v1, v5;
	_ =	sdelay $0x3  }
0x8a: {  	s15 =	simm.s32 $0x10400  }
0x8b: {  	[tilespmem:s15], [sflag:$0x1] =	stream.indirect_vreg.gather [hbm4b:s2+s10], $0x80, v5, vm1, $0xb8;
	[tilespmem:$0x13400] =	vst v63  }
0x8c: {  	v5 =	vld [tilespmem:s11+$0xE0];
	_ =	sdelay $0x4  }
0x8d: {  	v6 =	vperm.xlane v5, v0;
	_ =	sdelay $0x1  }
0x8e: {  	v5 =	vperm.xlane v5, v2;
	v6 =	vadd.s32 v1, v6;
	_ =	sdelay $0x1  }
0x8f: {  	v5 =	vadd.s32 v1, v5;
	_ =	sdelay $0x1  }
0x90: {  	s16 =	simm.s32 $0x4800  }
0x91: {  	[tilespmem:s16], [sflag:$0x1] =	stream.indirect_vreg.gather [hbm4b:s2+s10], $0x80, v6, vm0, $0xb8;
	[tilespmem:$0x13400] =	vst v63  }
0x92: {  	s13 =	simm.s32 $0x6800  }
0x93: {  	[tilespmem:s13], [sflag:$0x1] =	stream.indirect_vreg.gather [hbm4b:s2+s10], $0x80, v5, vm0, $0xb8;
	[tilespmem:$0x13400] =	vst v63  }
0x94: {  	v5 =	vld [tilespmem:s11+$0xF0];
	_ =	sdelay $0x4  }
0x95: {  	v6 =	vperm.xlane v5, v0;
	_ =	sdelay $0x1  }
0x96: {  	v5 =	vperm.xlane v5, v2;
	v6 =	vadd.s32 v1, v6;
	_ =	sdelay $0x1  }
0x97: {  	v5 =	vadd.s32 v1, v5;
	_ =	sdelay $0x1  }
0x98: {  	s14 =	simm.s32 $0x8800  }
0x99: {  	[tilespmem:s14], [sflag:$0x1] =	stream.indirect_vreg.gather [hbm4b:s2+s10], $0x80, v6, vm0, $0xb8;
	[tilespmem:$0x13400] =	vst v63  }
0x9a: {  	s15 =	simm.s32 $0xA800  }
0x9b: {  	[tilespmem:s15], [sflag:$0x1] =	stream.indirect_vreg.gather [hbm4b:s2+s10], $0x80, v5, vm0, $0xb8;
	[tilespmem:$0x13400] =	vst v63  }
0x9c: {  	v5 =	vld [tilespmem:s11+$0x100];
	_ =	sdelay $0x4  }
0x9d: {  	v6 =	vperm.xlane v5, v0;
	_ =	sdelay $0x1  }
0x9e: {  	v5 =	vperm.xlane v5, v2;
	v6 =	vadd.s32 v1, v6;
	_ =	sdelay $0x1  }
0x9f: {  	v5 =	vadd.s32 v1, v5;
	_ =	sdelay $0x1  }
0xa0: {  	s16 =	simm.s32 $0xC800  }
0xa1: {  	[tilespmem:s16], [sflag:$0x1] =	stream.indirect_vreg.gather [hbm4b:s2+s10], $0x80, v6, vm0, $0xb8;
	[tilespmem:$0x13400] =	vst v63  }
0xa2: {  	s13 =	simm.s32 $0xE800  }
0xa3: {  	[tilespmem:s13], [sflag:$0x1] =	stream.indirect_vreg.gather [hbm4b:s2+s10], $0x80, v5, vm0, $0xb8;
	[tilespmem:$0x13400] =	vst v63  }
0xa4: {  	v5 =	vld.msk [tilespmem:s11+$0x110], $0x3;
	_ =	sdelay $0x4  }
0xa5: {  	v5 =	vperm.xlane v5, v0;
	_ =	sdelay $0x1  }
0xa6: {  	v5 =	vadd.s32 v1, v5;
	_ =	sdelay $0x4  }
0xa7: {  	[tilespmem:s17], [sflag:$0x1] =	stream.indirect_vreg.gather [hbm4b:s2+s10], $0x80, v5, vm1, $0xb8;
	[tilespmem:$0x13400] =	vst v63  }
0xa8: {  	v5 =	vld [tilespmem:s11+$0x118];
	_ =	sdelay $0x4  }
0xa9: {  	v6 =	vperm.xlane v5, v0;
	_ =	sdelay $0x1  }
0xaa: {  	v5 =	vperm.xlane v5, v2;
	v6 =	vadd.s32 v1, v6;
	_ =	sdelay $0x1  }
0xab: {  	v5 =	vadd.s32 v1, v5;
	_ =	sdelay $0x2  }
0xac: {  	[tilespmem:s18], [sflag:$0x1] =	stream.indirect_vreg.gather [hbm4b:s2+s10], $0x80, v6, vm0, $0xb8;
	[tilespmem:$0x13400] =	vst v63  }
0xad: {  	_ = 	snop  }
0xae: {  	[tilespmem:s19], [sflag:$0x1] =	stream.indirect_vreg.gather [hbm4b:s2+s10], $0x80, v5, vm0, $0xb8;
	[tilespmem:$0x13400] =	vst v63  }
0xaf: {  	v5 =	vld [tilespmem:s11+$0x128];
	_ =	sdelay $0x4  }
0xb0: {  	v6 =	vperm.xlane v5, v0;
	_ =	sdelay $0x1  }
0xb1: {  	v5 =	vperm.xlane v5, v2;
	v6 =	vadd.s32 v1, v6;
	_ =	sdelay $0x1  }
0xb2: {  	v5 =	vadd.s32 v1, v5;
	_ =	sdelay $0x2  }
0xb3: {  	[tilespmem:s20], [sflag:$0x1] =	stream.indirect_vreg.gather [hbm4b:s2+s10], $0x80, v6, vm0, $0xb8;
	[tilespmem:$0x13400] =	vst v63  }
0xb4: {  	_ = 	snop  }
0xb5: {  	[tilespmem:s21], [sflag:$0x1] =	stream.indirect_vreg.gather [hbm4b:s2+s10], $0x80, v5, vm0, $0xb8;
	[tilespmem:$0x13400] =	vst v63  }
0xb6: {  	v5 =	vld [tilespmem:s11+$0x138];
	_ =	sdelay $0x4  }
0xb7: {  	v6 =	vperm.xlane v5, v0;
	_ =	sdelay $0x1  }
0xb8: {  	v5 =	vperm.xlane v5, v2;
	v6 =	vadd.s32 v1, v6;
	_ =	sdelay $0x1  }
0xb9: {  	v5 =	vadd.s32 v1, v5;
	_ =	sdelay $0x2  }
0xba: {  	[tilespmem:s22], [sflag:$0x1] =	stream.indirect_vreg.gather [hbm4b:s2+s10], $0x80, v6, vm0, $0xb8;
	[tilespmem:$0x13400] =	vst v63  }
0xbb: {  	_ = 	snop  }
0xbc: {  	[tilespmem:s23], [sflag:$0x1] =	stream.indirect_vreg.gather [hbm4b:s2+s10], $0x80, v5, vm0, $0xb8;
	[tilespmem:$0x13400] =	vst v63  }
0xbd: {  	v5 =	vld.msk [tilespmem:s11+$0x148], $0x3;
	_ =	sdelay $0x4  }
0xbe: {  	v5 =	vperm.xlane v5, v0;
	_ =	sdelay $0x1  }
0xbf: {  	v5 =	vadd.s32 v1, v5;
	_ =	sdelay $0x4  }
0xc0: {  	[tilespmem:s24], [sflag:$0x1] =	stream.indirect_vreg.gather [hbm4b:s2+s10], $0x80, v5, vm1, $0xb8;
	[tilespmem:$0x13400] =	vst v63  }
0xc1: {  	v5 =	vld [tilespmem:s11+$0x150];
	_ =	sdelay $0x4  }
0xc2: {  	v6 =	vperm.xlane v5, v0;
	_ =	sdelay $0x1  }
0xc3: {  	v5 =	vperm.xlane v5, v2;
	v6 =	vadd.s32 v1, v6;
	_ =	sdelay $0x1  }
0xc4: {  	v5 =	vadd.s32 v1, v5;
	_ =	sdelay $0x2  }
0xc5: {  	[tilespmem:s25], [sflag:$0x1] =	stream.indirect_vreg.gather [hbm4b:s2+s10], $0x80, v6, vm0, $0xb8;
	[tilespmem:$0x13400] =	vst v63  }
0xc6: {  	_ = 	snop  }
0xc7: {  	[tilespmem:s26], [sflag:$0x1] =	stream.indirect_vreg.gather [hbm4b:s2+s10], $0x80, v5, vm0, $0xb8;
	[tilespmem:$0x13400] =	vst v63  }
0xc8: {  	v5 =	vld [tilespmem:s11+$0x160];
	_ =	sdelay $0x4  }
0xc9: {  	v6 =	vperm.xlane v5, v0;
	_ =	sdelay $0x1  }
0xca: {  	v5 =	vperm.xlane v5, v2;
	v6 =	vadd.s32 v1, v6;
	_ =	sdelay $0x1  }
0xcb: {  	v5 =	vadd.s32 v1, v5;
	_ =	sdelay $0x2  }
0xcc: {  	[tilespmem:s28], [sflag:$0x1] =	stream.indirect_vreg.gather [hbm4b:s2+s10], $0x80, v6, vm0, $0xb8;
	[tilespmem:$0x13400] =	vst v63  }
0xcd: {  	_ = 	snop  }
0xce: {  	[tilespmem:s29], [sflag:$0x1] =	stream.indirect_vreg.gather [hbm4b:s2+s10], $0x80, v5, vm0, $0xb8;
	[tilespmem:$0x13400] =	vst v63  }
0xcf: {  	v5 =	vld [tilespmem:s11+$0x170];
	_ =	sdelay $0x4  }
0xd0: {  	v6 =	vperm.xlane v5, v0;
	_ =	sdelay $0x1  }
0xd1: {  	v5 =	vperm.xlane v5, v2;
	v6 =	vadd.s32 v1, v6;
	_ =	sdelay $0x1  }
0xd2: {  	v5 =	vadd.s32 v1, v5;
	_ =	sdelay $0x2  }
0xd3: {  	[tilespmem:s30], [sflag:$0x1] =	stream.indirect_vreg.gather [hbm4b:s2+s10], $0x80, v6, vm0, $0xb8;
	[tilespmem:$0x13400] =	vst v63  }
0xd4: {  	_ = 	snop  }
0xd5: {  	[tilespmem:s31], [sflag:$0x1] =	stream.indirect_vreg.gather [hbm4b:s2+s10], $0x80, v5, vm0, $0xb8;
	[tilespmem:$0x13400] =	vst v63  }
0xd6: {  	v5 =	vld.msk [tilespmem:s11+$0x180], $0x3;
	_ =	sdelay $0x4  }
0xd7: {  	v5 =	vperm.xlane v5, v0;
	_ =	sdelay $0x1  }
0xd8: {  	v5 =	vadd.s32 v1, v5;
	_ =	sdelay $0x4  }
0xd9: {  	[tilespmem:s1], [sflag:$0x1] =	stream.indirect_vreg.gather [hbm4b:s2+s10], $0x80, v5, vm1, $0xb8;
	[tilespmem:$0x13400] =	vst v63  }
0xda: {  	s11 =	sadd.s32 $0x188, s11  }
0xdb: {  	[tilespmem:s6], [sflag:$0x1] =	stream.indirect.gather [hbm4b:s2+s0], $0x80, s11, s0, $0xb8;
	[tilespmem:$0x13400] =	vst v63  }
0xdc: {  	_ =	swait.ge [sflag:s7], $0x1900  }
0xdd: {  	[sflag:s7] =	ssyncset.done $0x0  }
0xde: {  	[sflag:s7] =	ssyncadd.s32 $0xFFFFE700  }
0xdf: {  	_ =	swait.ge [sflag:s7], $0x1900  }
0xe0: {  	[sflag:s7] =	ssyncset.done $0x0  }
0xe1: {  	[sflag:s7] =	ssyncadd.s32 $0xFFFFE700  }
0xe2: {  	_ =	swait.ge [sflag:s7], $0x1900  }
0xe3: {  	[sflag:s7] =	ssyncset.done $0x0  }
0xe4: {  	[sflag:s7] =	ssyncadd.s32 $0xFFFFE700  }
0xe5: {  	_ =	swait.ge [sflag:s7], $0x1900  }
0xe6: {  	[sflag:s7] =	ssyncset.done $0x0  }
0xe7: {  	[sflag:s7] =	ssyncadd.s32 $0xFFFFE700  }
0xe8: {  	_ =	swait.ge [sflag:s7], $0x1900  }
0xe9: {  	[sflag:s7] =	ssyncset.done $0x0  }
0xea: {  	[sflag:s7] =	ssyncadd.s32 $0xFFFFE700  }
0xeb: {  	_ =	swait.ge [sflag:s7], $0x1900  }
0xec: {  	[sflag:s7] =	ssyncset.done $0x0  }
0xed: {  	[sflag:s7] =	ssyncadd.s32 $0xFFFFE700  }
0xee: {  	_ =	swait.ge [sflag:s7], $0x1900  }
0xef: {  	[sflag:s7] =	ssyncset.done $0x0  }
0xf0: {  	[sflag:s7] =	ssyncadd.s32 $0xFFFFE700  }
0xf1: {  	_ =	swait.ge [sflag:s7], $0x1900  }
0xf2: {  	[sflag:s7] =	ssyncset.done $0x0  }
0xf3: {  	s11 =	simm.s32 $0x11830;
	[sflag:s7] =	ssyncadd.s32 $0xFFFFE700  }
0xf4: {  	v5 =	vld [tilespmem:s11+$0xFFFFFFD0]  }
0xf5: {  	s14 =	sand.u32 $0x7, s10  }
0xf6: {  	s12 =	sshll.u32 s14, $0x7  }
0xf7: {  	s12 =	sadd.s32 $0x0, s12  }
0xf8: {  	s13 =	sor.u32 $0x1C00, s12  }
0xf9: {  	[tilespmem:s13+$0x3800] =	vst v5  }
0xfa: {  	v5 =	vld [tilespmem:s11+$0xFFFFFFE0];
	_ =	sdelay $0x3  }
0xfb: {  	s15 =	sor.u32 $0x1C10, s12  }
0xfc: {  	[tilespmem:s15+$0x3800] =	vst v5  }
0xfd: {  	v5 =	vld [tilespmem:s11+$0xFFFFFFF0];
	_ =	sdelay $0x3  }
0xfe: {  	s16 =	sor.u32 $0x1C20, s12  }
0xff: {  	[tilespmem:s16+$0x3800] =	vst v5  }
0x100: {  	v5 =	vld [tilespmem:s11+$0x0];
	_ =	sdelay $0x3  }
0x101: {  	s14 =	sor.u32 $0x1C30, s12  }
0x102: {  	[tilespmem:s14+$0x3800] =	vst v5  }
0x103: {  	v5 =	vld [tilespmem:s11+$0x10];
	_ =	sdelay $0x3  }
0x104: {  	s15 =	sor.u32 $0x1C40, s12  }
0x105: {  	[tilespmem:s15+$0x3800] =	vst v5;
	v5 =	vmov s10  }
0x106: {  	v6 =	vld [tilespmem:s11+$0x20];
	v7 =	vshll.u32 v5, $0x7  }
0x107: {  	v8 =	vor.u32 v3, v7;
	_ =	sdelay $0x2  }
0x108: {  	s16 =	sor.u32 $0x1C50, s12;
	v5 =	vshll.u32 v5, $0xA;
	v7 =	vand.u32 $0x380, v7  }
0x109: {  	v5 =	vor.u32 v7, v5;
	[tilespmem:s16+$0x3800] =	vst v6  }
0x10a: {  	v5 =	vor.u32 v4, v5;
	v6 =	vld.idx.msk [tilespmem:v8+s6+$0x0], $0xff;
	_ =	sdelay $0x4  }
0x10b: {  	s11 =	simm.s32 $0x118B0;
	[tilespmem:v5+s9+$0x0] =	vst.idx.msk $0xff, v6  }
0x10c: {  	s13 =	simm.s32 $0x1;
	s12 =	simm.s32 $0x1;
	s14 =	simm.s32 $0x2;
	v5 =	vld [tilespmem:s11+$0xFFFFFFD0]  }
.LBB2_3:
0x10d: {  	p0 =	sne.s32 s14, $0x31;
	s15 =	sand.u32 $0x7, s13  }
0x10e: {  	s10 =	sadd.s32 $0x400, s10;
	s15 =	sshll.u32 s15, $0x7  }
0x10f: {  	s15 =	sadd.s32 s15, s10  }
0x110: {  	s16 =	sor.u32 $0x1C00, s15  }
0x111: {  	[tilespmem:s16+$0x3800] =	vst v5  }
0x112: {  	v5 =	vld [tilespmem:s11+$0xFFFFFFE0];
	_ =	sdelay $0x3  }
0x113: {  	s16 =	sor.u32 $0x1C10, s15  }
0x114: {  	[tilespmem:s16+$0x3800] =	vst v5  }
0x115: {  	v5 =	vld [tilespmem:s11+$0xFFFFFFF0];
	_ =	sdelay $0x3  }
0x116: {  	s16 =	sor.u32 $0x1C20, s15  }
0x117: {  	[tilespmem:s16+$0x3800] =	vst v5  }
0x118: {  	v5 =	vld [tilespmem:s11+$0x0];
	_ =	sdelay $0x3  }
0x119: {  	s16 =	sor.u32 $0x1C30, s15  }
0x11a: {  	[tilespmem:s16+$0x3800] =	vst v5  }
0x11b: {  	v5 =	vld [tilespmem:s11+$0x10];
	_ =	sdelay $0x3  }
0x11c: {  	s16 =	sor.u32 $0x1C40, s15  }
0x11d: {  	[tilespmem:s16+$0x3800] =	vst v5;
	v5 =	vmov s12;
	s12 =	smov.u32 s14  }
0x11e: {  	v6 =	vld [tilespmem:s11+$0x20];
	v7 =	vshll.u32 v5, $0x7  }
0x11f: {  	v8 =	vor.u32 v3, v7;
	_ =	sdelay $0x2  }
0x120: {  	s15 =	sor.u32 $0x1C50, s15  }
0x121: {  	v5 =	vshll.u32 v5, $0xA;
	[tilespmem:s15+$0x3800] =	vst v6;
	v6 =	vand.u32 $0x380, v7  }
0x122: {  	v7 =	vld.idx.msk [tilespmem:v8+s6+$0x0], $0xff;
	v5 =	vor.u32 v6, v5  }
0x123: {  	v5 =	vor.u32 v4, v5;
	_ =	sdelay $0x1  }
.Ltmp0:
0x124: {  	(pc) =	sbr.rel @p0 .LBB2_3-.Ltmp0, $3  }
0x125: {  	_ =	sdelay $0x1  }
0x126: {  	s11 =	sadd.s32 $0x80, s11;
	[tilespmem:v5+s9+$0x0] =	vst.idx.msk $0xff, v7  }
0x127: {  	s13 =	sadd.s32 $0x1, s13;
	s14 =	sadd.s32 $0x1, s14;
	v5 =	vld [tilespmem:s11+$0xFFFFFFD0]  }
0x128: {  	s13 =	sand.u32 $0x7, s13  }
0x129: {  	s10 =	sadd.s32 $0x400, s10;
	s13 =	sshll.u32 s13, $0x7  }
0x12a: {  	s10 =	sadd.s32 s13, s10  }
0x12b: {  	s13 =	sor.u32 $0x1C00, s10  }
0x12c: {  	[tilespmem:s13+$0x3800] =	vst v5  }
0x12d: {  	v5 =	vld [tilespmem:s11+$0xFFFFFFE0];
	_ =	sdelay $0x3  }
0x12e: {  	s14 =	sor.u32 $0x1C10, s10  }
0x12f: {  	[tilespmem:s14+$0x3800] =	vst v5  }
0x130: {  	v5 =	vld [tilespmem:s11+$0xFFFFFFF0];
	_ =	sdelay $0x3  }
0x131: {  	s15 =	sor.u32 $0x1C20, s10  }
0x132: {  	[tilespmem:s15+$0x3800] =	vst v5  }
0x133: {  	v5 =	vld [tilespmem:s11+$0x0];
	_ =	sdelay $0x3  }
0x134: {  	s16 =	sor.u32 $0x1C30, s10  }
0x135: {  	[tilespmem:s16+$0x3800] =	vst v5  }
0x136: {  	v5 =	vld [tilespmem:s11+$0x10];
	_ =	sdelay $0x3  }
0x137: {  	s14 =	sor.u32 $0x1C40, s10  }
0x138: {  	[tilespmem:s14+$0x3800] =	vst v5;
	v5 =	vmov s12  }
0x139: {  	v6 =	vld [tilespmem:s11+$0x20];
	v7 =	vshll.u32 v5, $0x7  }
0x13a: {  	v8 =	vor.u32 v3, v7;
	_ =	sdelay $0x2  }
0x13b: {  	s10 =	sor.u32 $0x1C50, s10;
	v5 =	vshll.u32 v5, $0xA;
	v7 =	vand.u32 $0x380, v7  }
0x13c: {  	v5 =	vor.u32 v7, v5;
	[tilespmem:s10+$0x3800] =	vst v6  }
0x13d: {  	v5 =	vor.u32 v4, v5;
	v6 =	vld.idx.msk [tilespmem:v8+s6+$0x0], $0xff;
	_ =	sdelay $0x1  }
0x13e: {  	s15 =	sadd.s32 s5, s3  }
0x13f: {  	s3 =	sadd.s32 $0x1, s3;
	s10 =	smul.u32 $0x1C00, s15  }
0x140: {  	p0 =	sne.s32 s3, $0x20  }
.Ltmp1:
0x141: {  	s16 =	simm.s32 $0x0;
	s10 =	sadd.s32 s4, s10;
	[tilespmem:v5+s9+$0x0] =	vst.idx.msk $0xff, v6;
	(pc) =	sbr.rel @p0 .LBB2_2-.Ltmp1, $4  }
0x142: {  	[hbm4b:s10+s16] =	stream.linear.scatter [tilespmem:s9], [sflag:$0x2], $0xE000, $0x38;
	[tilespmem:$0x13400] =	vst v63  }
0x143: {  	_ =	swait.ge [sflag:s8], $0xE000  }
0x144: {  	[sflag:s8] =	ssyncset.done $0x0  }
0x145: {  	[sflag:s8] =	ssyncadd.s32 $0xFFFF2000  }
0x146: {  	s10 =	rddreg [dreg:$0x5]  }
0x147: {  	s3 =	rddreg [dreg:$0x4];
	s10 =	sadd.s32 $0x1, s10  }
0x148: {  	p0 =	sne.s32 s10, s3  }
.Ltmp2:
0x149: {  	_ = 	snop;
	(pc) =	sbr.rel @p0 .LBB2_1-.Ltmp2, $1  }
0x14a: {  	_ =	sdelay $0x3  }
0x14b: {  	_ =	sfence.sel $0x180000  }
0x14c: {  	[bflag:$0x0] =	sbarrier.arrive $0xFFFF  }
0x14d: {  	_ =	strace $0x90000047  }
0x14e: {  	s0 =	stileid.u32;
	[bflag:$0x2] =	sbarrier.arrive $0xFFFF  }
0x14f: {  	p0 =	sne.s32 s0, $0x0;
	s0 =	rddreg [dreg:$0x2]  }
0x150: {  	s0 =	sadd.s32 @!p0 $0x100000, s0  }
0x151: {  	[sflag:s0] =	ssyncadd.tile.s32 @!p0 $0x1;
	_ =	shalt  }
.Lfunc_end2:
_tile_overlayer_lowered:
.L_overlay_start_2:
0x152: {  	(tag) =	ssettag $0x2  }
0x153: {  	s0 =	rddreg [dreg:$0x0];
	s2 =	stileid.u32  }
0x154: {  	s1 =	rddreg [dreg:$0x1];
	p0 =	sne.s32 s2, $0x0  }
0x155: {  	s3 =	rddreg [dreg:$0x2];
	[bflag:$0x3] =	sbarrier.arrive $0xFFFF;
	s2 =	simm.s32 @!p0 $0x1C02  }
0x156: {  	[timem:s3], [sflag:s2] =	dma.local @!p0 [hbm:s0], s1  }
0x157: {  	s0 =	simm.s32 @!p0 $0x2  }
0x158: {  	_ =	swait.ge @!p0 [sflag:s0], s1  }
0x159: {  	s1 =	ssub.s32 @!p0 $0x0, s1;
	[sflag:s0] =	ssyncset.done @!p0 $0x0  }
0x15a: {  	[sflag:s0] =	ssyncadd.s32 @!p0 s1  }
0x15b: {  	[bflag:$0x3] =	sbarrier.arrive $0xFFFF  }
0x15c: {  	_ =	shalt  }

</sc_bundles>
